<compile_context>
chip_gen: v7x
topology: tpu7x:2x2x1
jax: 0.10.2.dev20260603
libtpu: 0.0.44.dev20260713+nightly
codegen_flags: <defaults>
</compile_context>

<pallas_src>
import jax
import jax.numpy as jnp
from jax import lax
from jax.experimental import pallas as pl
from jax.experimental.pallas import tpu as pltpu
from jax.experimental.pallas import tpu_sc as plsc

_B, _T = 8, 2048
_L = 16
_NW = 2 * _B
_CHUNK = _T // 2
_NBLK = _CHUNK // _L + 1
_MIN_GAP = 5
_MIN_SIZE = 5
_NEG = float("-inf")


def _bcast_lane(v, i):
    return v.at[jnp.full((_L,), i, jnp.int32)].get(mode="promise_in_bounds")


def _gather_lanes(v, idx):
    return v.at[idx].get(mode="promise_in_bounds")


def _loss_body(w_hbm, ypk_hbm, stage_hbm, out_hbm, wv, yv, resv, acc16,
               sem_w, sem_y):
    c = lax.axis_index("c")
    s = lax.axis_index("s")
    lane = lax.iota(jnp.int32, _L)

    rr = s // 2
    kk = s - 2 * rr
    start = 1008 * kk

    @pl.when(c == 0)
    def _compute():
        cw = pltpu.async_copy(w_hbm.at[rr], wv, sem_w)
        cy = pltpu.async_copy(ypk_hbm.at[rr], yv, sem_y)
        cw.wait()
        cy.wait()
        yvec = yv[...]
        y0 = _bcast_lane(yvec, 0)
        y1 = _bcast_lane(yvec, 1)
        ev = _bcast_lane(yvec, 2)
        fm_cap = 1024 * kk + _CHUNK + _L - _MIN_SIZE

        def pen(iv, yc):
            t = jnp.maximum(jnp.abs(yc - iv) - ev, 0)
            return t.astype(jnp.float32) * jnp.float32(0.5)

        def body(t, carry):
            s_next, best, fm, e = carry
            bb = start + (_NBLK - 1 - t) * _L
            wvec = wv[pl.ds(bb, _L)]
            iv = bb + lane
            inb = iv < _T
            fv = wvec + pen(iv, y0)
            gv = jnp.where(inb, wvec + pen(iv, y1), _NEG)
            wsuf = jnp.flip(plsc.cummax(jnp.flip(gv, 0)), 0)
            s_cur = jnp.maximum(wsuf, _bcast_lane(s_next, 0))
            h_lo = _gather_lanes(s_cur, jnp.minimum(lane + _MIN_SIZE, _L - 1))
            h_hi = _gather_lanes(s_next, jnp.maximum(lane - (_L - _MIN_SIZE), 0))
            h = jnp.where(lane < _L - _MIN_SIZE, h_lo, h_hi)
            r = jnp.where((iv >= _MIN_GAP) & inb, fv + h, _NEG)
            best = jnp.maximum(best, r)
            fm = jnp.maximum(
                fm, jnp.where((iv >= _MIN_GAP) & (iv <= fm_cap), fv, _NEG))
            e = jnp.where(t == _NBLK - 2 - kk, s_cur, e)
            return s_cur, best, fm, e

        neg = jnp.full((_L,), _NEG, jnp.float32)
        _, best, fm, e = lax.fori_loop(0, _NBLK, body, (neg, neg, neg, neg))

        w0 = wv[pl.ds(0, _L)]
        f0 = w0 + pen(lane, y0)
        g0 = w0 + pen(lane, y1)
        init = _bcast_lane(f0, 1) + _bcast_lane(g0, 1 + _MIN_SIZE)
        best = jnp.where(kk == 0, jnp.maximum(best, init), best)

        bs = jnp.broadcast_to(jnp.max(best), (_L,))
        fs = jnp.broadcast_to(jnp.max(fm), (_L,))
        es = _bcast_lane(e, 0)
        resv[...] = jnp.where(lane < 5, bs, jnp.where(lane < 10, fs, es))
        pltpu.sync_copy(resv, stage_hbm.at[s])

    plsc.subcore_barrier()

    @pl.when(jnp.logical_and(c == 0, s == 0))
    def _reduce():
        pltpu.sync_copy(stage_hbm, acc16)
        acc = jnp.zeros((_L,), jnp.float32)
        for r in range(_B):
            row0 = acc16[2 * r]
            row1 = acc16[2 * r + 1]
            b0 = _bcast_lane(row0, 0)
            f0 = _bcast_lane(row0, 5)
            b1 = _bcast_lane(row1, 0)
            e1 = _bcast_lane(row1, 10)
            acc = acc + jnp.maximum(jnp.maximum(b0, b1), f0 + e1)
        resv[...] = acc * jnp.float32(1.0 / _B)
        pltpu.sync_copy(resv, out_hbm)


_sc_loss = pl.kernel(
    _loss_body,
    out_type=(
        jax.ShapeDtypeStruct((_NW, _L), jnp.float32),
        jax.ShapeDtypeStruct((_L,), jnp.float32),
    ),
    mesh=plsc.VectorSubcoreMesh(core_axis_name="c", subcore_axis_name="s",
                                num_cores=1, num_subcores=16),
    scratch_types=[
        pltpu.VMEM((_T,), jnp.float32),
        pltpu.VMEM((_L,), jnp.int32),
        pltpu.VMEM((_L,), jnp.float32),
        pltpu.VMEM((_NW, _L), jnp.float32),
        pltpu.SemaphoreType.DMA,
        pltpu.SemaphoreType.DMA,
    ],
    compiler_params=pltpu.CompilerParams(needs_layout_passes=False),
)


def kernel(w_phi, y, eps):
    ypk = jnp.pad(y.astype(jnp.int32), ((0, 0), (0, _L - 2)),
                  constant_values=jnp.asarray(eps, jnp.int32))
    _, out = _sc_loss(w_phi, ypk)
    return out[0]

# --- scband reference (transcript-rebuilt; emitter-appended) ---
"""Pipeline reference for scband-custom-loss-1915555414694 (READ-ONLY COPY).

The authoritative reference and input builder live on the scoring server;
editing this copy changes nothing except your own understanding.
"""

import jax, jax.numpy as jnp
import numpy as np

MIN_GAP = 5
MIN_SIZE = 5


def setup_inputs(seed: int = 0) -> dict:
    key = jax.random.key(seed)
    k1, k2 = jax.random.split(key)
    w_phi = jax.random.normal(k1, (8, 2048), dtype=jnp.float32)
    y = jax.random.randint(k2, (8, 2), 0, 2048, dtype=jnp.int64 if jax.config.jax_enable_x64 else jnp.int32)
    return {"w_phi": w_phi, "y": y, "eps": 5}


def reference(w_phi, y, eps=5):
    # Faithful vectorization of the O(T^2) loss-augmented max over (onset=i, offset=j)
    # candidate set: {(1, 1+MIN_SIZE)} U {(i, j) : i >= MIN_GAP, j >= i + MIN_SIZE}
    # score(i, j) = w[i] + w[j] + (relu(|y0 - i| - eps) + relu(|y1 - j| - eps)) / 2
    B, T = w_phi.shape
    idx = jnp.arange(T)
    # penalty terms, integer arithmetic then true-division by 2 (matches torch semantics)
    a = jnp.maximum(0, jnp.abs(y[:, 0:1] - idx[None, :]) - eps) / 2.0  # [B, T] onset penalty
    b = jnp.maximum(0, jnp.abs(y[:, 1:2] - idx[None, :]) - eps) / 2.0  # [B, T] offset penalty
    f = w_phi + a.astype(w_phi.dtype)  # onset term  [B, T]
    g = w_phi + b.astype(w_phi.dtype)  # offset term [B, T]
    # full candidate grid [B, T, T]
    grid = f[:, :, None] + g[:, None, :]
    i_idx = idx[:, None]
    j_idx = idx[None, :]
    valid = (i_idx >= MIN_GAP) & (j_idx >= i_idx + MIN_SIZE)  # MAX_SIZE = inf
    masked = jnp.where(valid[None, :, :], grid, -jnp.inf)
    cand_max = jnp.max(masked, axis=(1, 2))  # [B]
    # initial candidate: onset=1, offset=1+MIN_SIZE (kept even if loop never improves)
    init_score = f[:, 1] + g[:, 1 + MIN_SIZE]  # [B]
    per_example = jnp.maximum(cand_max, init_score)
    loss = jnp.sum(per_example) / B
    return loss

if __name__ == "__main__":
    import jax
    _d = setup_inputs()
    print(jax.jit(kernel)(*tuple(_d.values())))

</pallas_src>

<mosaic_0001>
#map = affine_map<(d0, d1) -> (0, 0)>
#map1 = affine_map<(d0, d1) -> (0)>
module attributes {stable_mosaic.version = 14 : i64} {
  func.func @_loss_body(%arg0: i32, %arg1: i32, %arg2: memref<8x2048xf32, #tpu.memory_space<hbm>>, %arg3: memref<8x16xi32, #tpu.memory_space<hbm>>, %arg4: memref<16x16xf32, #tpu.memory_space<hbm>>, %arg5: memref<16xf32, #tpu.memory_space<hbm>>, %arg6: memref<2048xf32, #tpu.memory_space<vmem>>, %arg7: memref<16xi32, #tpu.memory_space<vmem>>, %arg8: memref<16xf32, #tpu.memory_space<vmem>>, %arg9: memref<16x16xf32, #tpu.memory_space<vmem>>, %arg10: memref<!tpu.dma_semaphore, #tpu.memory_space<semaphore_mem>>, %arg11: memref<!tpu.dma_semaphore, #tpu.memory_space<semaphore_mem>>) attributes {dimension_semantics = [#tpu.dimension_semantics<core_parallel>, #tpu.dimension_semantics<subcore_parallel>], iteration_bounds = array<i64: 1, 16>, scalar_prefetch = 0 : i64, scratch_operands = 6 : i64, tpu.core_type = #tpu.core_type<sc_vector_subcore>, window_params = [{transform_indices = #map}, {transform_indices = #map}, {transform_indices = #map}, {transform_indices = #map1}]} {
    %iota3A = tpu.iota {dimensions = array<i32: 0>} : vector<16xi32>
    %jit3A = arith.constant 2 : i32
    %div3A = arith.divsi %arg1, %jit3A : i32
    %sign3A = arith.constant 0 : i32
    %sign3A_0 = arith.cmpi sgt, %arg1, %sign3A : i32
    %sign3A_1 = arith.extui %sign3A_0 : i1 to i32
    %sign3A_2 = arith.constant 0 : i32
    %sign3A_3 = arith.cmpi slt, %arg1, %sign3A_2 : i32
    %sign3A_4 = arith.extui %sign3A_3 : i1 to i32
    %sign3A_5 = arith.subi %sign3A_1, %sign3A_4 : i32
    %sign3A_6 = arith.constant 0 : i32
    %sign3A_7 = arith.cmpi sgt, %jit3A, %sign3A_6 : i32
    %sign3A_8 = arith.extui %sign3A_7 : i1 to i32
    %sign3A_9 = arith.constant 0 : i32
    %sign3A_10 = arith.cmpi slt, %jit3A, %sign3A_9 : i32
    %sign3A_11 = arith.extui %sign3A_10 : i1 to i32
    %sign3A_12 = arith.subi %sign3A_8, %sign3A_11 : i32
    %ne3A = arith.cmpi ne, %sign3A_5, %sign3A_12 : i32
    %rem3A = arith.remsi %arg1, %jit3A : i32
    %ne3A_13 = arith.constant 0 : i32
    %ne3A_14 = arith.cmpi ne, %rem3A, %ne3A_13 : i32
    %and3A = arith.andi %ne3A, %ne3A_14 : i1
    %sub3A = arith.constant 1 : i32
    %sub3A_15 = arith.subi %div3A, %sub3A : i32
    %select_n3A = arith.select %and3A, %sub3A_15, %div3A : i32
    %mul3A = arith.constant 2 : i32
    %mul3A_16 = arith.muli %mul3A, %select_n3A : i32
    %sub3A_17 = arith.subi %arg1, %mul3A_16 : i32
    %mul3A_18 = arith.constant 1008 : i32
    %mul3A_19 = arith.muli %mul3A_18, %sub3A_17 : i32
    %eq3A = arith.constant 0 : i32
    %eq3A_20 = arith.cmpi eq, %arg0, %eq3A : i32
    %convert_element_type3A = arith.extui %eq3A_20 : i1 to i32
    %cond3A = arith.constant 0 : i32
    %cond3A_21 = arith.cmpi ne, %convert_element_type3A, %cond3A : i32
    scf.if %cond3A_21 {
      %dma_start3A = arith.constant 0 : i32
      %dma_start3A_30 = tpu.memref_slice %arg2[%select_n3A, %dma_start3A] : memref<8x2048xf32, #tpu.memory_space<hbm>> -> memref<1x2048xf32, #tpu.memory_space<hbm>>
      %dma_start3A_31 = tpu.memref_squeeze %dma_start3A_30 : memref<1x2048xf32, #tpu.memory_space<hbm>> -> memref<2048xf32, #tpu.memory_space<hbm>>
      %dma_start3A_32 = arith.constant 0 : i32
      %dma_start3A_33 = tpu.memref_slice %arg2[%select_n3A, %dma_start3A_32] : memref<8x2048xf32, #tpu.memory_space<hbm>> -> memref<1x2048xf32, #tpu.memory_space<hbm>>
      %dma_start3A_34 = tpu.memref_squeeze %dma_start3A_33 : memref<1x2048xf32, #tpu.memory_space<hbm>> -> memref<2048xf32, #tpu.memory_space<hbm>>
      tpu.enqueue_dma source(%dma_start3A_34 : memref<2048xf32, #tpu.memory_space<hbm>>) target(%arg6 : memref<2048xf32, #tpu.memory_space<vmem>>) target_semaphore(%arg10 : memref<!tpu.dma_semaphore, #tpu.memory_space<semaphore_mem>>)
      %dma_start3A_35 = arith.constant 0 : i32
      %dma_start3A_36 = tpu.memref_slice %arg3[%select_n3A, %dma_start3A_35] : memref<8x16xi32, #tpu.memory_space<hbm>> -> memref<1x16xi32, #tpu.memory_space<hbm>>
      %dma_start3A_37 = tpu.memref_squeeze %dma_start3A_36 : memref<1x16xi32, #tpu.memory_space<hbm>> -> memref<16xi32, #tpu.memory_space<hbm>>
      %dma_start3A_38 = arith.constant 0 : i32
      %dma_start3A_39 = tpu.memref_slice %arg3[%select_n3A, %dma_start3A_38] : memref<8x16xi32, #tpu.memory_space<hbm>> -> memref<1x16xi32, #tpu.memory_space<hbm>>
      %dma_start3A_40 = tpu.memref_squeeze %dma_start3A_39 : memref<1x16xi32, #tpu.memory_space<hbm>> -> memref<16xi32, #tpu.memory_space<hbm>>
      tpu.enqueue_dma source(%dma_start3A_40 : memref<16xi32, #tpu.memory_space<hbm>>) target(%arg7 : memref<16xi32, #tpu.memory_space<vmem>>) target_semaphore(%arg11 : memref<!tpu.dma_semaphore, #tpu.memory_space<semaphore_mem>>)
      %dma_wait3A = arith.constant 0 : i32
      %dma_wait3A_41 = tpu.memref_slice %arg2[%select_n3A, %dma_wait3A] : memref<8x2048xf32, #tpu.memory_space<hbm>> -> memref<1x2048xf32, #tpu.memory_space<hbm>>
      %dma_wait3A_42 = tpu.memref_squeeze %dma_wait3A_41 : memref<1x2048xf32, #tpu.memory_space<hbm>> -> memref<2048xf32, #tpu.memory_space<hbm>>
      %dma_wait3A_43 = arith.constant 0 : i32
      %dma_wait3A_44 = tpu.memref_slice %arg2[%select_n3A, %dma_wait3A_43] : memref<8x2048xf32, #tpu.memory_space<hbm>> -> memref<1x2048xf32, #tpu.memory_space<hbm>>
      %dma_wait3A_45 = tpu.memref_squeeze %dma_wait3A_44 : memref<1x2048xf32, #tpu.memory_space<hbm>> -> memref<2048xf32, #tpu.memory_space<hbm>>
      tpu.wait_dma2 semaphore(%arg10 : memref<!tpu.dma_semaphore, #tpu.memory_space<semaphore_mem>>) src(%dma_wait3A_45 : memref<2048xf32, #tpu.memory_space<hbm>>) dst(%arg6 : memref<2048xf32, #tpu.memory_space<vmem>>)
      %dma_wait3A_46 = arith.constant 0 : i32
      %dma_wait3A_47 = tpu.memref_slice %arg3[%select_n3A, %dma_wait3A_46] : memref<8x16xi32, #tpu.memory_space<hbm>> -> memref<1x16xi32, #tpu.memory_space<hbm>>
      %dma_wait3A_48 = tpu.memref_squeeze %dma_wait3A_47 : memref<1x16xi32, #tpu.memory_space<hbm>> -> memref<16xi32, #tpu.memory_space<hbm>>
      %dma_wait3A_49 = arith.constant 0 : i32
      %dma_wait3A_50 = tpu.memref_slice %arg3[%select_n3A, %dma_wait3A_49] : memref<8x16xi32, #tpu.memory_space<hbm>> -> memref<1x16xi32, #tpu.memory_space<hbm>>
      %dma_wait3A_51 = tpu.memref_squeeze %dma_wait3A_50 : memref<1x16xi32, #tpu.memory_space<hbm>> -> memref<16xi32, #tpu.memory_space<hbm>>
      tpu.wait_dma2 semaphore(%arg11 : memref<!tpu.dma_semaphore, #tpu.memory_space<semaphore_mem>>) src(%dma_wait3A_51 : memref<16xi32, #tpu.memory_space<hbm>>) dst(%arg7 : memref<16xi32, #tpu.memory_space<vmem>>)
      %get3A = arith.constant 0 : index
      %get3A_52 = tpu.vector_load %arg7[%get3A] {strides = array<i32>} : memref<16xi32, #tpu.memory_space<vmem>>, vector<16xi32>,
      %broadcast_in_dim3A = arith.constant 0 : i32
      %broadcast_in_dim3A_53 = vector.broadcast %broadcast_in_dim3A : i32 to vector<16xi32>
      %lt3A = arith.constant 0 : i32
      %lt3A_54 = vector.broadcast %lt3A : i32 to vector<16xi32>
      %lt3A_55 = arith.cmpi slt, %broadcast_in_dim3A_53, %lt3A_54 : vector<16xi32>
      %add3A = arith.constant 16 : i32
      %add3A_56 = vector.broadcast %add3A : i32 to vector<16xi32>
      %add3A_57 = arith.addi %broadcast_in_dim3A_53, %add3A_56 : vector<16xi32>
      %select_n3A_58 = arith.select %lt3A_55, %add3A_57, %broadcast_in_dim3A_53 : vector<16xi1>, vector<16xi32>
      %broadcast_in_dim3A_59 = vector.shape_cast %select_n3A_58 : vector<16xi32> to vector<16x1xi32>
      %gather3A = vector.shape_cast %broadcast_in_dim3A_59 : vector<16x1xi32> to vector<16xi32>
      %gather3A_60 = tpu.dynamic_gather %get3A_52[%gather3A] in [0] : vector<16xi32>, vector<16xi32> -> vector<16xi32>
      %broadcast_in_dim3A_61 = arith.constant 1 : i32
      %broadcast_in_dim3A_62 = vector.broadcast %broadcast_in_dim3A_61 : i32 to vector<16xi32>
      %lt3A_63 = arith.constant 0 : i32
      %lt3A_64 = vector.broadcast %lt3A_63 : i32 to vector<16xi32>
      %lt3A_65 = arith.cmpi slt, %broadcast_in_dim3A_62, %lt3A_64 : vector<16xi32>
      %add3A_66 = arith.constant 16 : i32
      %add3A_67 = vector.broadcast %add3A_66 : i32 to vector<16xi32>
      %add3A_68 = arith.addi %broadcast_in_dim3A_62, %add3A_67 : vector<16xi32>
      %select_n3A_69 = arith.select %lt3A_65, %add3A_68, %broadcast_in_dim3A_62 : vector<16xi1>, vector<16xi32>
      %broadcast_in_dim3A_70 = vector.shape_cast %select_n3A_69 : vector<16xi32> to vector<16x1xi32>
      %gather3A_71 = vector.shape_cast %broadcast_in_dim3A_70 : vector<16x1xi32> to vector<16xi32>
      %gather3A_72 = tpu.dynamic_gather %get3A_52[%gather3A_71] in [0] : vector<16xi32>, vector<16xi32> -> vector<16xi32>
      %broadcast_in_dim3A_73 = arith.constant 2 : i32
      %broadcast_in_dim3A_74 = vector.broadcast %broadcast_in_dim3A_73 : i32 to vector<16xi32>
      %lt3A_75 = arith.constant 0 : i32
      %lt3A_76 = vector.broadcast %lt3A_75 : i32 to vector<16xi32>
      %lt3A_77 = arith.cmpi slt, %broadcast_in_dim3A_74, %lt3A_76 : vector<16xi32>
      %add3A_78 = arith.constant 16 : i32
      %add3A_79 = vector.broadcast %add3A_78 : i32 to vector<16xi32>
      %add3A_80 = arith.addi %broadcast_in_dim3A_74, %add3A_79 : vector<16xi32>
      %select_n3A_81 = arith.select %lt3A_77, %add3A_80, %broadcast_in_dim3A_74 : vector<16xi1>, vector<16xi32>
      %broadcast_in_dim3A_82 = vector.shape_cast %select_n3A_81 : vector<16xi32> to vector<16x1xi32>
      %gather3A_83 = vector.shape_cast %broadcast_in_dim3A_82 : vector<16x1xi32> to vector<16xi32>
      %gather3A_84 = tpu.dynamic_gather %get3A_52[%gather3A_83] in [0] : vector<16xi32>, vector<16xi32> -> vector<16xi32>
      %mul3A_85 = arith.constant 1024 : i32
      %mul3A_86 = arith.muli %mul3A_85, %sub3A_17 : i32
      %add3A_87 = arith.constant 1024 : i32
      %add3A_88 = arith.addi %mul3A_86, %add3A_87 : i32
      %add3A_89 = arith.constant 16 : i32
      %add3A_90 = arith.addi %add3A_88, %add3A_89 : i32
      %sub3A_91 = arith.constant 5 : i32
      %sub3A_92 = arith.subi %add3A_90, %sub3A_91 : i32
      %broadcast_in_dim3A_93 = arith.constant 0xFF800000 : f32
      %broadcast_in_dim3A_94 = vector.broadcast %broadcast_in_dim3A_93 : f32 to vector<16xf32>
      %scan3A = arith.constant 0 : i32
      %scan3A_95 = arith.constant 65 : i32
      %scan3A_96 = arith.addi %scan3A, %scan3A_95 : i32
      %scan3A_97 = arith.constant 1 : i32
      %scan3A_98:4 = scf.for %scan3A_181 = %scan3A to %scan3A_96 step %scan3A_97 iter_args(%scan3A_182 = %broadcast_in_dim3A_94, %scan3A_183 = %broadcast_in_dim3A_94, %scan3A_184 = %broadcast_in_dim3A_94, %scan3A_185 = %broadcast_in_dim3A_94) -> (vector<16xf32>, vector<16xf32>, vector<16xf32>, vector<16xf32>)  : i32 {
        %sub3A_186 = arith.constant 64 : i32
        %sub3A_187 = arith.subi %sub3A_186, %scan3A_181 : i32
        %mul3A_188 = arith.constant 16 : i32
        %mul3A_189 = arith.muli %sub3A_187, %mul3A_188 : i32
        %add3A_190 = arith.addi %mul3A_19, %mul3A_189 : i32
        %get3A_191 = arith.index_cast %add3A_190 : i32 to index
        %get3A_192 = tpu.vector_load %arg6[%get3A_191] {strides = array<i32>} : memref<2048xf32, #tpu.memory_space<vmem>>, vector<16xf32>,
        %add3A_193 = vector.broadcast %add3A_190 : i32 to vector<16xi32>
        %add3A_194 = arith.addi %add3A_193, %iota3A : vector<16xi32>
        %lt3A_195 = arith.constant 2048 : i32
        %lt3A_196 = vector.broadcast %lt3A_195 : i32 to vector<16xi32>
        %lt3A_197 = arith.cmpi slt, %add3A_194, %lt3A_196 : vector<16xi32>
        %sub3A_198 = arith.subi %gather3A_60, %add3A_194 : vector<16xi32>
        %abs3A_199 = math.absi %sub3A_198 : vector<16xi32>
        %sub3A_200 = arith.subi %abs3A_199, %gather3A_84 : vector<16xi32>
        %max3A_201 = arith.constant 0 : i32
        %max3A_202 = vector.broadcast %max3A_201 : i32 to vector<16xi32>
        %max3A_203 = arith.maxsi %sub3A_200, %max3A_202 : vector<16xi32>
        %convert_element_type3A_204 = arith.sitofp %max3A_203 : vector<16xi32> to vector<16xf32>
        %mul3A_205 = arith.constant 5.000000e-01 : f32
        %mul3A_206 = vector.broadcast %mul3A_205 : f32 to vector<16xf32>
        %mul3A_207 = arith.mulf %convert_element_type3A_204, %mul3A_206 : vector<16xf32>
        %add3A_208 = arith.addf %get3A_192, %mul3A_207 : vector<16xf32>
        %sub3A_209 = arith.subi %gather3A_72, %add3A_194 : vector<16xi32>
        %abs3A_210 = math.absi %sub3A_209 : vector<16xi32>
        %sub3A_211 = arith.subi %abs3A_210, %gather3A_84 : vector<16xi32>
        %max3A_212 = arith.constant 0 : i32
        %max3A_213 = vector.broadcast %max3A_212 : i32 to vector<16xi32>
        %max3A_214 = arith.maxsi %sub3A_211, %max3A_213 : vector<16xi32>
        %convert_element_type3A_215 = arith.sitofp %max3A_214 : vector<16xi32> to vector<16xf32>
        %mul3A_216 = arith.constant 5.000000e-01 : f32
        %mul3A_217 = vector.broadcast %mul3A_216 : f32 to vector<16xf32>
        %mul3A_218 = arith.mulf %convert_element_type3A_215, %mul3A_217 : vector<16xf32>
        %add3A_219 = arith.addf %get3A_192, %mul3A_218 : vector<16xf32>
        %jit3A_220 = arith.constant 0xFF800000 : f32
        %broadcast_in_dim3A_221 = vector.broadcast %jit3A_220 : f32 to vector<16xf32>
        %select_n3A_222 = arith.select %lt3A_197, %add3A_219, %broadcast_in_dim3A_221 : vector<16xi1>, vector<16xf32>
        %rev3A = arith.constant 15 : i32
        %rev3A_223 = vector.broadcast %rev3A : i32 to vector<16xi32>
        %rev3A_224 = tpu.iota {dimensions = array<i32: 0>} : vector<16xi32>
        %rev3A_225 = arith.subi %rev3A_223, %rev3A_224 : vector<16xi32>
        %rev3A_226 = tpu.dynamic_gather %select_n3A_222[%rev3A_225] in [0] : vector<16xf32>, vector<16xi32> -> vector<16xf32>
        %broadcast_in_dim3A_227 = arith.constant true
        %broadcast_in_dim3A_228 = vector.broadcast %broadcast_in_dim3A_227 : i1 to vector<16xi1>
        %masked_cummax3A = tpu.scan <max>, %rev3A_226 masked %broadcast_in_dim3A_228 : vector<16xf32>, vector<16xi1> -> vector<16xf32>
        %rev3A_229 = arith.constant 15 : i32
        %rev3A_230 = vector.broadcast %rev3A_229 : i32 to vector<16xi32>
        %rev3A_231 = tpu.iota {dimensions = array<i32: 0>} : vector<16xi32>
        %rev3A_232 = arith.subi %rev3A_230, %rev3A_231 : vector<16xi32>
        %rev3A_233 = tpu.dynamic_gather %masked_cummax3A[%rev3A_232] in [0] : vector<16xf32>, vector<16xi32> -> vector<16xf32>
        %broadcast_in_dim3A_234 = arith.constant 0 : i32
        %broadcast_in_dim3A_235 = vector.broadcast %broadcast_in_dim3A_234 : i32 to vector<16xi32>
        %lt3A_236 = arith.constant 0 : i32
        %lt3A_237 = vector.broadcast %lt3A_236 : i32 to vector<16xi32>
        %lt3A_238 = arith.cmpi slt, %broadcast_in_dim3A_235, %lt3A_237 : vector<16xi32>
        %add3A_239 = arith.constant 16 : i32
        %add3A_240 = vector.broadcast %add3A_239 : i32 to vector<16xi32>
        %add3A_241 = arith.addi %broadcast_in_dim3A_235, %add3A_240 : vector<16xi32>
        %select_n3A_242 = arith.select %lt3A_238, %add3A_241, %broadcast_in_dim3A_235 : vector<16xi1>, vector<16xi32>
        %broadcast_in_dim3A_243 = vector.shape_cast %select_n3A_242 : vector<16xi32> to vector<16x1xi32>
        %gather3A_244 = vector.shape_cast %broadcast_in_dim3A_243 : vector<16x1xi32> to vector<16xi32>
        %gather3A_245 = tpu.dynamic_gather %scan3A_182[%gather3A_244] in [0] : vector<16xf32>, vector<16xi32> -> vector<16xf32>
        %max3A_246 = arith.maximumf %rev3A_233, %gather3A_245 : vector<16xf32>
        %add3A_247 = arith.constant 5 : i32
        %add3A_248 = vector.broadcast %add3A_247 : i32 to vector<16xi32>
        %add3A_249 = arith.addi %iota3A, %add3A_248 : vector<16xi32>
        %min3A = arith.constant 15 : i32
        %min3A_250 = vector.broadcast %min3A : i32 to vector<16xi32>
        %min3A_251 = arith.minsi %add3A_249, %min3A_250 : vector<16xi32>
        %lt3A_252 = arith.constant 0 : i32
        %lt3A_253 = vector.broadcast %lt3A_252 : i32 to vector<16xi32>
        %lt3A_254 = arith.cmpi slt, %min3A_251, %lt3A_253 : vector<16xi32>
        %add3A_255 = arith.constant 16 : i32
        %add3A_256 = vector.broadcast %add3A_255 : i32 to vector<16xi32>
        %add3A_257 = arith.addi %min3A_251, %add3A_256 : vector<16xi32>
        %select_n3A_258 = arith.select %lt3A_254, %add3A_257, %min3A_251 : vector<16xi1>, vector<16xi32>
        %broadcast_in_dim3A_259 = vector.shape_cast %select_n3A_258 : vector<16xi32> to vector<16x1xi32>
        %gather3A_260 = vector.shape_cast %broadcast_in_dim3A_259 : vector<16x1xi32> to vector<16xi32>
        %gather3A_261 = tpu.dynamic_gather %max3A_246[%gather3A_260] in [0] : vector<16xf32>, vector<16xi32> -> vector<16xf32>
        %sub3A_262 = arith.constant 11 : i32
        %sub3A_263 = vector.broadcast %sub3A_262 : i32 to vector<16xi32>
        %sub3A_264 = arith.subi %iota3A, %sub3A_263 : vector<16xi32>
        %max3A_265 = arith.constant 0 : i32
        %max3A_266 = vector.broadcast %max3A_265 : i32 to vector<16xi32>
        %max3A_267 = arith.maxsi %sub3A_264, %max3A_266 : vector<16xi32>
        %lt3A_268 = arith.constant 0 : i32
        %lt3A_269 = vector.broadcast %lt3A_268 : i32 to vector<16xi32>
        %lt3A_270 = arith.cmpi slt, %max3A_267, %lt3A_269 : vector<16xi32>
        %add3A_271 = arith.constant 16 : i32
        %add3A_272 = vector.broadcast %add3A_271 : i32 to vector<16xi32>
        %add3A_273 = arith.addi %max3A_267, %add3A_272 : vector<16xi32>
        %select_n3A_274 = arith.select %lt3A_270, %add3A_273, %max3A_267 : vector<16xi1>, vector<16xi32>
        %broadcast_in_dim3A_275 = vector.shape_cast %select_n3A_274 : vector<16xi32> to vector<16x1xi32>
        %gather3A_276 = vector.shape_cast %broadcast_in_dim3A_275 : vector<16x1xi32> to vector<16xi32>
        %gather3A_277 = tpu.dynamic_gather %scan3A_182[%gather3A_276] in [0] : vector<16xf32>, vector<16xi32> -> vector<16xf32>
        %lt3A_278 = arith.constant 11 : i32
        %lt3A_279 = vector.broadcast %lt3A_278 : i32 to vector<16xi32>
        %lt3A_280 = arith.cmpi slt, %iota3A, %lt3A_279 : vector<16xi32>
        %select_n3A_281 = arith.select %lt3A_280, %gather3A_261, %gather3A_277 : vector<16xi1>, vector<16xf32>
        %ge3A = arith.constant 5 : i32
        %ge3A_282 = vector.broadcast %ge3A : i32 to vector<16xi32>
        %ge3A_283 = arith.cmpi sge, %add3A_194, %ge3A_282 : vector<16xi32>
        %and3A_284 = arith.andi %ge3A_283, %lt3A_197 : vector<16xi1>
        %add3A_285 = arith.addf %add3A_208, %select_n3A_281 : vector<16xf32>
        %jit3A_286 = arith.constant 0xFF800000 : f32
        %broadcast_in_dim3A_287 = vector.broadcast %jit3A_286 : f32 to vector<16xf32>
        %select_n3A_288 = arith.select %and3A_284, %add3A_285, %broadcast_in_dim3A_287 : vector<16xi1>, vector<16xf32>
        %max3A_289 = arith.maximumf %scan3A_183, %select_n3A_288 : vector<16xf32>
        %ge3A_290 = arith.constant 5 : i32
        %ge3A_291 = vector.broadcast %ge3A_290 : i32 to vector<16xi32>
        %ge3A_292 = arith.cmpi sge, %add3A_194, %ge3A_291 : vector<16xi32>
        %le3A = vector.broadcast %sub3A_92 : i32 to vector<16xi32>
        %le3A_293 = arith.cmpi sle, %add3A_194, %le3A : vector<16xi32>
        %and3A_294 = arith.andi %ge3A_292, %le3A_293 : vector<16xi1>
        %jit3A_295 = arith.constant 0xFF800000 : f32
        %broadcast_in_dim3A_296 = vector.broadcast %jit3A_295 : f32 to vector<16xf32>
        %select_n3A_297 = arith.select %and3A_294, %add3A_208, %broadcast_in_dim3A_296 : vector<16xi1>, vector<16xf32>
        %max3A_298 = arith.maximumf %scan3A_184, %select_n3A_297 : vector<16xf32>
        %sub3A_299 = arith.constant 63 : i32
        %sub3A_300 = arith.subi %sub3A_299, %sub3A_17 : i32
        %eq3A_301 = arith.cmpi eq, %scan3A_181, %sub3A_300 : i32
        %select_n3A_302 = arith.select %eq3A_301, %max3A_246, %scan3A_185 : vector<16xf32>
        scf.yield %max3A_246, %max3A_289, %max3A_298, %select_n3A_302 : vector<16xf32>, vector<16xf32>, vector<16xf32>, vector<16xf32>
      }
      %scan3A_99 = arith.constant 65 : i32
      %get3A_100 = arith.constant 0 : index
      %get3A_101 = tpu.vector_load %arg6[%get3A_100] {strides = array<i32>} : memref<2048xf32, #tpu.memory_space<vmem>>, vector<16xf32>,
      %sub3A_102 = arith.subi %gather3A_60, %iota3A : vector<16xi32>
      %abs3A = math.absi %sub3A_102 : vector<16xi32>
      %sub3A_103 = arith.subi %abs3A, %gather3A_84 : vector<16xi32>
      %max3A = arith.constant 0 : i32
      %max3A_104 = vector.broadcast %max3A : i32 to vector<16xi32>
      %max3A_105 = arith.maxsi %sub3A_103, %max3A_104 : vector<16xi32>
      %convert_element_type3A_106 = arith.sitofp %max3A_105 : vector<16xi32> to vector<16xf32>
      %mul3A_107 = arith.constant 5.000000e-01 : f32
      %mul3A_108 = vector.broadcast %mul3A_107 : f32 to vector<16xf32>
      %mul3A_109 = arith.mulf %convert_element_type3A_106, %mul3A_108 : vector<16xf32>
      %add3A_110 = arith.addf %get3A_101, %mul3A_109 : vector<16xf32>
      %sub3A_111 = arith.subi %gather3A_72, %iota3A : vector<16xi32>
      %abs3A_112 = math.absi %sub3A_111 : vector<16xi32>
      %sub3A_113 = arith.subi %abs3A_112, %gather3A_84 : vector<16xi32>
      %max3A_114 = arith.constant 0 : i32
      %max3A_115 = vector.broadcast %max3A_114 : i32 to vector<16xi32>
      %max3A_116 = arith.maxsi %sub3A_113, %max3A_115 : vector<16xi32>
      %convert_element_type3A_117 = arith.sitofp %max3A_116 : vector<16xi32> to vector<16xf32>
      %mul3A_118 = arith.constant 5.000000e-01 : f32
      %mul3A_119 = vector.broadcast %mul3A_118 : f32 to vector<16xf32>
      %mul3A_120 = arith.mulf %convert_element_type3A_117, %mul3A_119 : vector<16xf32>
      %add3A_121 = arith.addf %get3A_101, %mul3A_120 : vector<16xf32>
      %broadcast_in_dim3A_122 = arith.constant 1 : i32
      %broadcast_in_dim3A_123 = vector.broadcast %broadcast_in_dim3A_122 : i32 to vector<16xi32>
      %lt3A_124 = arith.constant 0 : i32
      %lt3A_125 = vector.broadcast %lt3A_124 : i32 to vector<16xi32>
      %lt3A_126 = arith.cmpi slt, %broadcast_in_dim3A_123, %lt3A_125 : vector<16xi32>
      %add3A_127 = arith.constant 16 : i32
      %add3A_128 = vector.broadcast %add3A_127 : i32 to vector<16xi32>
      %add3A_129 = arith.addi %broadcast_in_dim3A_123, %add3A_128 : vector<16xi32>
      %select_n3A_130 = arith.select %lt3A_126, %add3A_129, %broadcast_in_dim3A_123 : vector<16xi1>, vector<16xi32>
      %broadcast_in_dim3A_131 = vector.shape_cast %select_n3A_130 : vector<16xi32> to vector<16x1xi32>
      %gather3A_132 = vector.shape_cast %broadcast_in_dim3A_131 : vector<16x1xi32> to vector<16xi32>
      %gather3A_133 = tpu.dynamic_gather %add3A_110[%gather3A_132] in [0] : vector<16xf32>, vector<16xi32> -> vector<16xf32>
      %broadcast_in_dim3A_134 = arith.constant 6 : i32
      %broadcast_in_dim3A_135 = vector.broadcast %broadcast_in_dim3A_134 : i32 to vector<16xi32>
      %lt3A_136 = arith.constant 0 : i32
      %lt3A_137 = vector.broadcast %lt3A_136 : i32 to vector<16xi32>
      %lt3A_138 = arith.cmpi slt, %broadcast_in_dim3A_135, %lt3A_137 : vector<16xi32>
      %add3A_139 = arith.constant 16 : i32
      %add3A_140 = vector.broadcast %add3A_139 : i32 to vector<16xi32>
      %add3A_141 = arith.addi %broadcast_in_dim3A_135, %add3A_140 : vector<16xi32>
      %select_n3A_142 = arith.select %lt3A_138, %add3A_141, %broadcast_in_dim3A_135 : vector<16xi1>, vector<16xi32>
      %broadcast_in_dim3A_143 = vector.shape_cast %select_n3A_142 : vector<16xi32> to vector<16x1xi32>
      %gather3A_144 = vector.shape_cast %broadcast_in_dim3A_143 : vector<16x1xi32> to vector<16xi32>
      %gather3A_145 = tpu.dynamic_gather %add3A_121[%gather3A_144] in [0] : vector<16xf32>, vector<16xi32> -> vector<16xf32>
      %add3A_146 = arith.addf %gather3A_133, %gather3A_145 : vector<16xf32>
      %eq3A_147 = arith.constant 0 : i32
      %eq3A_148 = arith.cmpi eq, %sub3A_17, %eq3A_147 : i32
      %max3A_149 = arith.maximumf %scan3A_98#1, %add3A_146 : vector<16xf32>
      %select_n3A_150 = arith.select %eq3A_148, %max3A_149, %scan3A_98#1 : vector<16xf32>
      %reduce_max3A = arith.constant true
      %reduce_max3A_151 = vector.broadcast %reduce_max3A : i1 to vector<16xi1>
      %reduce_max3A_152 = tpu.scan <max>, %select_n3A_150 masked %reduce_max3A_151 : vector<16xf32>, vector<16xi1> -> vector<16xf32>
      %reduce_max3A_153 = vector.extract %reduce_max3A_152[15] : f32 from vector<16xf32>
      %broadcast_in_dim3A_154 = vector.broadcast %reduce_max3A_153 : f32 to vector<16xf32>
      %reduce_max3A_155 = arith.constant true
      %reduce_max3A_156 = vector.broadcast %reduce_max3A_155 : i1 to vector<16xi1>
      %reduce_max3A_157 = tpu.scan <max>, %scan3A_98#2 masked %reduce_max3A_156 : vector<16xf32>, vector<16xi1> -> vector<16xf32>
      %reduce_max3A_158 = vector.extract %reduce_max3A_157[15] : f32 from vector<16xf32>
      %broadcast_in_dim3A_159 = vector.broadcast %reduce_max3A_158 : f32 to vector<16xf32>
      %broadcast_in_dim3A_160 = arith.constant 0 : i32
      %broadcast_in_dim3A_161 = vector.broadcast %broadcast_in_dim3A_160 : i32 to vector<16xi32>
      %lt3A_162 = arith.constant 0 : i32
      %lt3A_163 = vector.broadcast %lt3A_162 : i32 to vector<16xi32>
      %lt3A_164 = arith.cmpi slt, %broadcast_in_dim3A_161, %lt3A_163 : vector<16xi32>
      %add3A_165 = arith.constant 16 : i32
      %add3A_166 = vector.broadcast %add3A_165 : i32 to vector<16xi32>
      %add3A_167 = arith.addi %broadcast_in_dim3A_161, %add3A_166 : vector<16xi32>
      %select_n3A_168 = arith.select %lt3A_164, %add3A_167, %broadcast_in_dim3A_161 : vector<16xi1>, vector<16xi32>
      %broadcast_in_dim3A_169 = vector.shape_cast %select_n3A_168 : vector<16xi32> to vector<16x1xi32>
      %gather3A_170 = vector.shape_cast %broadcast_in_dim3A_169 : vector<16x1xi32> to vector<16xi32>
      %gather3A_171 = tpu.dynamic_gather %scan3A_98#3[%gather3A_170] in [0] : vector<16xf32>, vector<16xi32> -> vector<16xf32>
      %lt3A_172 = arith.constant 5 : i32
      %lt3A_173 = vector.broadcast %lt3A_172 : i32 to vector<16xi32>
      %lt3A_174 = arith.cmpi slt, %iota3A, %lt3A_173 : vector<16xi32>
      %lt3A_175 = arith.constant 10 : i32
      %lt3A_176 = vector.broadcast %lt3A_175 : i32 to vector<16xi32>
      %lt3A_177 = arith.cmpi slt, %iota3A, %lt3A_176 : vector<16xi32>
      %select_n3A_178 = arith.select %lt3A_177, %broadcast_in_dim3A_159, %gather3A_171 : vector<16xi1>, vector<16xf32>
      %select_n3A_179 = arith.select %lt3A_174, %broadcast_in_dim3A_154, %select_n3A_178 : vector<16xi1>, vector<16xf32>
      %swap3A = arith.constant 0 : index
      %swap3A_180 = tpu.vector_load %arg8[%swap3A] {strides = array<i32>} : memref<16xf32, #tpu.memory_space<vmem>>, vector<16xf32>,
      tpu.vector_store %arg8[%swap3A], %select_n3A_179 {strides = array<i32>} : memref<16xf32, #tpu.memory_space<vmem>>, vector<16xf32>,
      "tpu.region"() ({
        %run_scoped3A = tpu.sem_alloc : memref<!tpu.dma_semaphore, #tpu.memory_space<semaphore_mem>>
        %dma_start3A_181 = arith.constant 0 : i32
        %dma_start3A_182 = tpu.memref_slice %arg4[%arg1, %dma_start3A_181] : memref<16x16xf32, #tpu.memory_space<hbm>> -> memref<1x16xf32, #tpu.memory_space<hbm>>
        %dma_start3A_183 = tpu.memref_squeeze %dma_start3A_182 : memref<1x16xf32, #tpu.memory_space<hbm>> -> memref<16xf32, #tpu.memory_space<hbm>>
        %dma_start3A_184 = arith.constant 0 : i32
        %dma_start3A_185 = tpu.memref_slice %arg4[%arg1, %dma_start3A_184] : memref<16x16xf32, #tpu.memory_space<hbm>> -> memref<1x16xf32, #tpu.memory_space<hbm>>
        %dma_start3A_186 = tpu.memref_squeeze %dma_start3A_185 : memref<1x16xf32, #tpu.memory_space<hbm>> -> memref<16xf32, #tpu.memory_space<hbm>>
        tpu.enqueue_dma source(%arg8 : memref<16xf32, #tpu.memory_space<vmem>>) target(%dma_start3A_186 : memref<16xf32, #tpu.memory_space<hbm>>) target_semaphore(%run_scoped3A : memref<!tpu.dma_semaphore, #tpu.memory_space<semaphore_mem>>)
        %dma_wait3A_187 = arith.constant 0 : i32
        %dma_wait3A_188 = tpu.memref_slice %arg4[%arg1, %dma_wait3A_187] : memref<16x16xf32, #tpu.memory_space<hbm>> -> memref<1x16xf32, #tpu.memory_space<hbm>>
        %dma_wait3A_189 = tpu.memref_squeeze %dma_wait3A_188 : memref<1x16xf32, #tpu.memory_space<hbm>> -> memref<16xf32, #tpu.memory_space<hbm>>
        %dma_wait3A_190 = arith.constant 0 : i32
        %dma_wait3A_191 = tpu.memref_slice %arg4[%arg1, %dma_wait3A_190] : memref<16x16xf32, #tpu.memory_space<hbm>> -> memref<1x16xf32, #tpu.memory_space<hbm>>
        %dma_wait3A_192 = tpu.memref_squeeze %dma_wait3A_191 : memref<1x16xf32, #tpu.memory_space<hbm>> -> memref<16xf32, #tpu.memory_space<hbm>>
        tpu.wait_dma2 semaphore(%run_scoped3A : memref<!tpu.dma_semaphore, #tpu.memory_space<semaphore_mem>>) src(%arg8 : memref<16xf32, #tpu.memory_space<vmem>>) dst(%dma_wait3A_192 : memref<16xf32, #tpu.memory_space<hbm>>)
        tpu.yield
      }) : () -> ()
    } else {
    }
    %barrier3A = arith.constant 0 : index
    tpu.barrier barrier_id(%barrier3A)
    %eq3A_22 = arith.constant 0 : i32
    %eq3A_23 = arith.cmpi eq, %arg0, %eq3A_22 : i32
    %eq3A_24 = arith.constant 0 : i32
    %eq3A_25 = arith.cmpi eq, %arg1, %eq3A_24 : i32
    %and3A_26 = arith.andi %eq3A_23, %eq3A_25 : i1
    %convert_element_type3A_27 = arith.extui %and3A_26 : i1 to i32
    %cond3A_28 = arith.constant 0 : i32
    %cond3A_29 = arith.cmpi ne, %convert_element_type3A_27, %cond3A_28 : i32
    scf.if %cond3A_29 {
      "tpu.region"() ({
        %run_scoped3A = tpu.sem_alloc : memref<!tpu.dma_semaphore, #tpu.memory_space<semaphore_mem>>
        tpu.enqueue_dma source(%arg4 : memref<16x16xf32, #tpu.memory_space<hbm>>) target(%arg9 : memref<16x16xf32, #tpu.memory_space<vmem>>) target_semaphore(%run_scoped3A : memref<!tpu.dma_semaphore, #tpu.memory_space<semaphore_mem>>)
        tpu.wait_dma2 semaphore(%run_scoped3A : memref<!tpu.dma_semaphore, #tpu.memory_space<semaphore_mem>>) src(%arg4 : memref<16x16xf32, #tpu.memory_space<hbm>>) dst(%arg9 : memref<16x16xf32, #tpu.memory_space<vmem>>)
        tpu.yield
      }) : () -> ()
      %broadcast_in_dim3A = arith.constant 0.000000e+00 : f32
      %broadcast_in_dim3A_30 = vector.broadcast %broadcast_in_dim3A : f32 to vector<16xf32>
      %get3A = arith.constant 0 : i32
      %get3A_31 = arith.index_cast %get3A : i32 to index
      %get3A_32 = arith.constant 0 : index
      %get3A_33 = tpu.vector_load %arg9[%get3A_31, %get3A_32] {strides = array<i32>} : memref<16x16xf32, #tpu.memory_space<vmem>>, vector<16xf32>,
      %get3A_34 = arith.constant 1 : i32
      %get3A_35 = arith.index_cast %get3A_34 : i32 to index
      %get3A_36 = arith.constant 0 : index
      %get3A_37 = tpu.vector_load %arg9[%get3A_35, %get3A_36] {strides = array<i32>} : memref<16x16xf32, #tpu.memory_space<vmem>>, vector<16xf32>,
      %broadcast_in_dim3A_38 = arith.constant 0 : i32
      %broadcast_in_dim3A_39 = vector.broadcast %broadcast_in_dim3A_38 : i32 to vector<16xi32>
      %lt3A = arith.constant 0 : i32
      %lt3A_40 = vector.broadcast %lt3A : i32 to vector<16xi32>
      %lt3A_41 = arith.cmpi slt, %broadcast_in_dim3A_39, %lt3A_40 : vector<16xi32>
      %add3A = arith.constant 16 : i32
      %add3A_42 = vector.broadcast %add3A : i32 to vector<16xi32>
      %add3A_43 = arith.addi %broadcast_in_dim3A_39, %add3A_42 : vector<16xi32>
      %select_n3A_44 = arith.select %lt3A_41, %add3A_43, %broadcast_in_dim3A_39 : vector<16xi1>, vector<16xi32>
      %broadcast_in_dim3A_45 = vector.shape_cast %select_n3A_44 : vector<16xi32> to vector<16x1xi32>
      %gather3A = vector.shape_cast %broadcast_in_dim3A_45 : vector<16x1xi32> to vector<16xi32>
      %gather3A_46 = tpu.dynamic_gather %get3A_33[%gather3A] in [0] : vector<16xf32>, vector<16xi32> -> vector<16xf32>
      %broadcast_in_dim3A_47 = arith.constant 5 : i32
      %broadcast_in_dim3A_48 = vector.broadcast %broadcast_in_dim3A_47 : i32 to vector<16xi32>
      %lt3A_49 = arith.constant 0 : i32
      %lt3A_50 = vector.broadcast %lt3A_49 : i32 to vector<16xi32>
      %lt3A_51 = arith.cmpi slt, %broadcast_in_dim3A_48, %lt3A_50 : vector<16xi32>
      %add3A_52 = arith.constant 16 : i32
      %add3A_53 = vector.broadcast %add3A_52 : i32 to vector<16xi32>
      %add3A_54 = arith.addi %broadcast_in_dim3A_48, %add3A_53 : vector<16xi32>
      %select_n3A_55 = arith.select %lt3A_51, %add3A_54, %broadcast_in_dim3A_48 : vector<16xi1>, vector<16xi32>
      %broadcast_in_dim3A_56 = vector.shape_cast %select_n3A_55 : vector<16xi32> to vector<16x1xi32>
      %gather3A_57 = vector.shape_cast %broadcast_in_dim3A_56 : vector<16x1xi32> to vector<16xi32>
      %gather3A_58 = tpu.dynamic_gather %get3A_33[%gather3A_57] in [0] : vector<16xf32>, vector<16xi32> -> vector<16xf32>
      %broadcast_in_dim3A_59 = arith.constant 0 : i32
      %broadcast_in_dim3A_60 = vector.broadcast %broadcast_in_dim3A_59 : i32 to vector<16xi32>
      %lt3A_61 = arith.constant 0 : i32
      %lt3A_62 = vector.broadcast %lt3A_61 : i32 to vector<16xi32>
      %lt3A_63 = arith.cmpi slt, %broadcast_in_dim3A_60, %lt3A_62 : vector<16xi32>
      %add3A_64 = arith.constant 16 : i32
      %add3A_65 = vector.broadcast %add3A_64 : i32 to vector<16xi32>
      %add3A_66 = arith.addi %broadcast_in_dim3A_60, %add3A_65 : vector<16xi32>
      %select_n3A_67 = arith.select %lt3A_63, %add3A_66, %broadcast_in_dim3A_60 : vector<16xi1>, vector<16xi32>
      %broadcast_in_dim3A_68 = vector.shape_cast %select_n3A_67 : vector<16xi32> to vector<16x1xi32>
      %gather3A_69 = vector.shape_cast %broadcast_in_dim3A_68 : vector<16x1xi32> to vector<16xi32>
      %gather3A_70 = tpu.dynamic_gather %get3A_37[%gather3A_69] in [0] : vector<16xf32>, vector<16xi32> -> vector<16xf32>
      %broadcast_in_dim3A_71 = arith.constant 10 : i32
      %broadcast_in_dim3A_72 = vector.broadcast %broadcast_in_dim3A_71 : i32 to vector<16xi32>
      %lt3A_73 = arith.constant 0 : i32
      %lt3A_74 = vector.broadcast %lt3A_73 : i32 to vector<16xi32>
      %lt3A_75 = arith.cmpi slt, %broadcast_in_dim3A_72, %lt3A_74 : vector<16xi32>
      %add3A_76 = arith.constant 16 : i32
      %add3A_77 = vector.broadcast %add3A_76 : i32 to vector<16xi32>
      %add3A_78 = arith.addi %broadcast_in_dim3A_72, %add3A_77 : vector<16xi32>
      %select_n3A_79 = arith.select %lt3A_75, %add3A_78, %broadcast_in_dim3A_72 : vector<16xi1>, vector<16xi32>
      %broadcast_in_dim3A_80 = vector.shape_cast %select_n3A_79 : vector<16xi32> to vector<16x1xi32>
      %gather3A_81 = vector.shape_cast %broadcast_in_dim3A_80 : vector<16x1xi32> to vector<16xi32>
      %gather3A_82 = tpu.dynamic_gather %get3A_37[%gather3A_81] in [0] : vector<16xf32>, vector<16xi32> -> vector<16xf32>
      %max3A = arith.maximumf %gather3A_46, %gather3A_70 : vector<16xf32>
      %add3A_83 = arith.addf %gather3A_58, %gather3A_82 : vector<16xf32>
      %max3A_84 = arith.maximumf %max3A, %add3A_83 : vector<16xf32>
      %add3A_85 = arith.addf %broadcast_in_dim3A_30, %max3A_84 : vector<16xf32>
      %get3A_86 = arith.constant 2 : i32
      %get3A_87 = arith.index_cast %get3A_86 : i32 to index
      %get3A_88 = arith.constant 0 : index
      %get3A_89 = tpu.vector_load %arg9[%get3A_87, %get3A_88] {strides = array<i32>} : memref<16x16xf32, #tpu.memory_space<vmem>>, vector<16xf32>,
      %get3A_90 = arith.constant 3 : i32
      %get3A_91 = arith.index_cast %get3A_90 : i32 to index
      %get3A_92 = arith.constant 0 : index
      %get3A_93 = tpu.vector_load %arg9[%get3A_91, %get3A_92] {strides = array<i32>} : memref<16x16xf32, #tpu.memory_space<vmem>>, vector<16xf32>,
      %broadcast_in_dim3A_94 = arith.constant 0 : i32
      %broadcast_in_dim3A_95 = vector.broadcast %broadcast_in_dim3A_94 : i32 to vector<16xi32>
      %lt3A_96 = arith.constant 0 : i32
      %lt3A_97 = vector.broadcast %lt3A_96 : i32 to vector<16xi32>
      %lt3A_98 = arith.cmpi slt, %broadcast_in_dim3A_95, %lt3A_97 : vector<16xi32>
      %add3A_99 = arith.constant 16 : i32
      %add3A_100 = vector.broadcast %add3A_99 : i32 to vector<16xi32>
      %add3A_101 = arith.addi %broadcast_in_dim3A_95, %add3A_100 : vector<16xi32>
      %select_n3A_102 = arith.select %lt3A_98, %add3A_101, %broadcast_in_dim3A_95 : vector<16xi1>, vector<16xi32>
      %broadcast_in_dim3A_103 = vector.shape_cast %select_n3A_102 : vector<16xi32> to vector<16x1xi32>
      %gather3A_104 = vector.shape_cast %broadcast_in_dim3A_103 : vector<16x1xi32> to vector<16xi32>
      %gather3A_105 = tpu.dynamic_gather %get3A_89[%gather3A_104] in [0] : vector<16xf32>, vector<16xi32> -> vector<16xf32>
      %broadcast_in_dim3A_106 = arith.constant 5 : i32
      %broadcast_in_dim3A_107 = vector.broadcast %broadcast_in_dim3A_106 : i32 to vector<16xi32>
      %lt3A_108 = arith.constant 0 : i32
      %lt3A_109 = vector.broadcast %lt3A_108 : i32 to vector<16xi32>
      %lt3A_110 = arith.cmpi slt, %broadcast_in_dim3A_107, %lt3A_109 : vector<16xi32>
      %add3A_111 = arith.constant 16 : i32
      %add3A_112 = vector.broadcast %add3A_111 : i32 to vector<16xi32>
      %add3A_113 = arith.addi %broadcast_in_dim3A_107, %add3A_112 : vector<16xi32>
      %select_n3A_114 = arith.select %lt3A_110, %add3A_113, %broadcast_in_dim3A_107 : vector<16xi1>, vector<16xi32>
      %broadcast_in_dim3A_115 = vector.shape_cast %select_n3A_114 : vector<16xi32> to vector<16x1xi32>
      %gather3A_116 = vector.shape_cast %broadcast_in_dim3A_115 : vector<16x1xi32> to vector<16xi32>
      %gather3A_117 = tpu.dynamic_gather %get3A_89[%gather3A_116] in [0] : vector<16xf32>, vector<16xi32> -> vector<16xf32>
      %broadcast_in_dim3A_118 = arith.constant 0 : i32
      %broadcast_in_dim3A_119 = vector.broadcast %broadcast_in_dim3A_118 : i32 to vector<16xi32>
      %lt3A_120 = arith.constant 0 : i32
      %lt3A_121 = vector.broadcast %lt3A_120 : i32 to vector<16xi32>
      %lt3A_122 = arith.cmpi slt, %broadcast_in_dim3A_119, %lt3A_121 : vector<16xi32>
      %add3A_123 = arith.constant 16 : i32
      %add3A_124 = vector.broadcast %add3A_123 : i32 to vector<16xi32>
      %add3A_125 = arith.addi %broadcast_in_dim3A_119, %add3A_124 : vector<16xi32>
      %select_n3A_126 = arith.select %lt3A_122, %add3A_125, %broadcast_in_dim3A_119 : vector<16xi1>, vector<16xi32>
      %broadcast_in_dim3A_127 = vector.shape_cast %select_n3A_126 : vector<16xi32> to vector<16x1xi32>
      %gather3A_128 = vector.shape_cast %broadcast_in_dim3A_127 : vector<16x1xi32> to vector<16xi32>
      %gather3A_129 = tpu.dynamic_gather %get3A_93[%gather3A_128] in [0] : vector<16xf32>, vector<16xi32> -> vector<16xf32>
      %broadcast_in_dim3A_130 = arith.constant 10 : i32
      %broadcast_in_dim3A_131 = vector.broadcast %broadcast_in_dim3A_130 : i32 to vector<16xi32>
      %lt3A_132 = arith.constant 0 : i32
      %lt3A_133 = vector.broadcast %lt3A_132 : i32 to vector<16xi32>
      %lt3A_134 = arith.cmpi slt, %broadcast_in_dim3A_131, %lt3A_133 : vector<16xi32>
      %add3A_135 = arith.constant 16 : i32
      %add3A_136 = vector.broadcast %add3A_135 : i32 to vector<16xi32>
      %add3A_137 = arith.addi %broadcast_in_dim3A_131, %add3A_136 : vector<16xi32>
      %select_n3A_138 = arith.select %lt3A_134, %add3A_137, %broadcast_in_dim3A_131 : vector<16xi1>, vector<16xi32>
      %broadcast_in_dim3A_139 = vector.shape_cast %select_n3A_138 : vector<16xi32> to vector<16x1xi32>
      %gather3A_140 = vector.shape_cast %broadcast_in_dim3A_139 : vector<16x1xi32> to vector<16xi32>
      %gather3A_141 = tpu.dynamic_gather %get3A_93[%gather3A_140] in [0] : vector<16xf32>, vector<16xi32> -> vector<16xf32>
      %max3A_142 = arith.maximumf %gather3A_105, %gather3A_129 : vector<16xf32>
      %add3A_143 = arith.addf %gather3A_117, %gather3A_141 : vector<16xf32>
      %max3A_144 = arith.maximumf %max3A_142, %add3A_143 : vector<16xf32>
      %add3A_145 = arith.addf %add3A_85, %max3A_144 : vector<16xf32>
      %get3A_146 = arith.constant 4 : i32
      %get3A_147 = arith.index_cast %get3A_146 : i32 to index
      %get3A_148 = arith.constant 0 : index
      %get3A_149 = tpu.vector_load %arg9[%get3A_147, %get3A_148] {strides = array<i32>} : memref<16x16xf32, #tpu.memory_space<vmem>>, vector<16xf32>,
      %get3A_150 = arith.constant 5 : i32
      %get3A_151 = arith.index_cast %get3A_150 : i32 to index
      %get3A_152 = arith.constant 0 : index
      %get3A_153 = tpu.vector_load %arg9[%get3A_151, %get3A_152] {strides = array<i32>} : memref<16x16xf32, #tpu.memory_space<vmem>>, vector<16xf32>,
      %broadcast_in_dim3A_154 = arith.constant 0 : i32
      %broadcast_in_dim3A_155 = vector.broadcast %broadcast_in_dim3A_154 : i32 to vector<16xi32>
      %lt3A_156 = arith.constant 0 : i32
      %lt3A_157 = vector.broadcast %lt3A_156 : i32 to vector<16xi32>
      %lt3A_158 = arith.cmpi slt, %broadcast_in_dim3A_155, %lt3A_157 : vector<16xi32>
      %add3A_159 = arith.constant 16 : i32
      %add3A_160 = vector.broadcast %add3A_159 : i32 to vector<16xi32>
      %add3A_161 = arith.addi %broadcast_in_dim3A_155, %add3A_160 : vector<16xi32>
      %select_n3A_162 = arith.select %lt3A_158, %add3A_161, %broadcast_in_dim3A_155 : vector<16xi1>, vector<16xi32>
      %broadcast_in_dim3A_163 = vector.shape_cast %select_n3A_162 : vector<16xi32> to vector<16x1xi32>
      %gather3A_164 = vector.shape_cast %broadcast_in_dim3A_163 : vector<16x1xi32> to vector<16xi32>
      %gather3A_165 = tpu.dynamic_gather %get3A_149[%gather3A_164] in [0] : vector<16xf32>, vector<16xi32> -> vector<16xf32>
      %broadcast_in_dim3A_166 = arith.constant 5 : i32
      %broadcast_in_dim3A_167 = vector.broadcast %broadcast_in_dim3A_166 : i32 to vector<16xi32>
      %lt3A_168 = arith.constant 0 : i32
      %lt3A_169 = vector.broadcast %lt3A_168 : i32 to vector<16xi32>
      %lt3A_170 = arith.cmpi slt, %broadcast_in_dim3A_167, %lt3A_169 : vector<16xi32>
      %add3A_171 = arith.constant 16 : i32
      %add3A_172 = vector.broadcast %add3A_171 : i32 to vector<16xi32>
      %add3A_173 = arith.addi %broadcast_in_dim3A_167, %add3A_172 : vector<16xi32>
      %select_n3A_174 = arith.select %lt3A_170, %add3A_173, %broadcast_in_dim3A_167 : vector<16xi1>, vector<16xi32>
      %broadcast_in_dim3A_175 = vector.shape_cast %select_n3A_174 : vector<16xi32> to vector<16x1xi32>
      %gather3A_176 = vector.shape_cast %broadcast_in_dim3A_175 : vector<16x1xi32> to vector<16xi32>
      %gather3A_177 = tpu.dynamic_gather %get3A_149[%gather3A_176] in [0] : vector<16xf32>, vector<16xi32> -> vector<16xf32>
      %broadcast_in_dim3A_178 = arith.constant 0 : i32
      %broadcast_in_dim3A_179 = vector.broadcast %broadcast_in_dim3A_178 : i32 to vector<16xi32>
      %lt3A_180 = arith.constant 0 : i32
      %lt3A_181 = vector.broadcast %lt3A_180 : i32 to vector<16xi32>
      %lt3A_182 = arith.cmpi slt, %broadcast_in_dim3A_179, %lt3A_181 : vector<16xi32>
      %add3A_183 = arith.constant 16 : i32
      %add3A_184 = vector.broadcast %add3A_183 : i32 to vector<16xi32>
      %add3A_185 = arith.addi %broadcast_in_dim3A_179, %add3A_184 : vector<16xi32>
      %select_n3A_186 = arith.select %lt3A_182, %add3A_185, %broadcast_in_dim3A_179 : vector<16xi1>, vector<16xi32>
      %broadcast_in_dim3A_187 = vector.shape_cast %select_n3A_186 : vector<16xi32> to vector<16x1xi32>
      %gather3A_188 = vector.shape_cast %broadcast_in_dim3A_187 : vector<16x1xi32> to vector<16xi32>
      %gather3A_189 = tpu.dynamic_gather %get3A_153[%gather3A_188] in [0] : vector<16xf32>, vector<16xi32> -> vector<16xf32>
      %broadcast_in_dim3A_190 = arith.constant 10 : i32
      %broadcast_in_dim3A_191 = vector.broadcast %broadcast_in_dim3A_190 : i32 to vector<16xi32>
      %lt3A_192 = arith.constant 0 : i32
      %lt3A_193 = vector.broadcast %lt3A_192 : i32 to vector<16xi32>
      %lt3A_194 = arith.cmpi slt, %broadcast_in_dim3A_191, %lt3A_193 : vector<16xi32>
      %add3A_195 = arith.constant 16 : i32
      %add3A_196 = vector.broadcast %add3A_195 : i32 to vector<16xi32>
      %add3A_197 = arith.addi %broadcast_in_dim3A_191, %add3A_196 : vector<16xi32>
      %select_n3A_198 = arith.select %lt3A_194, %add3A_197, %broadcast_in_dim3A_191 : vector<16xi1>, vector<16xi32>
      %broadcast_in_dim3A_199 = vector.shape_cast %select_n3A_198 : vector<16xi32> to vector<16x1xi32>
      %gather3A_200 = vector.shape_cast %broadcast_in_dim3A_199 : vector<16x1xi32> to vector<16xi32>
      %gather3A_201 = tpu.dynamic_gather %get3A_153[%gather3A_200] in [0] : vector<16xf32>, vector<16xi32> -> vector<16xf32>
      %max3A_202 = arith.maximumf %gather3A_165, %gather3A_189 : vector<16xf32>
      %add3A_203 = arith.addf %gather3A_177, %gather3A_201 : vector<16xf32>
      %max3A_204 = arith.maximumf %max3A_202, %add3A_203 : vector<16xf32>
      %add3A_205 = arith.addf %add3A_145, %max3A_204 : vector<16xf32>
      %get3A_206 = arith.constant 6 : i32
      %get3A_207 = arith.index_cast %get3A_206 : i32 to index
      %get3A_208 = arith.constant 0 : index
      %get3A_209 = tpu.vector_load %arg9[%get3A_207, %get3A_208] {strides = array<i32>} : memref<16x16xf32, #tpu.memory_space<vmem>>, vector<16xf32>,
      %get3A_210 = arith.constant 7 : i32
      %get3A_211 = arith.index_cast %get3A_210 : i32 to index
      %get3A_212 = arith.constant 0 : index
      %get3A_213 = tpu.vector_load %arg9[%get3A_211, %get3A_212] {strides = array<i32>} : memref<16x16xf32, #tpu.memory_space<vmem>>, vector<16xf32>,
      %broadcast_in_dim3A_214 = arith.constant 0 : i32
      %broadcast_in_dim3A_215 = vector.broadcast %broadcast_in_dim3A_214 : i32 to vector<16xi32>
      %lt3A_216 = arith.constant 0 : i32
      %lt3A_217 = vector.broadcast %lt3A_216 : i32 to vector<16xi32>
      %lt3A_218 = arith.cmpi slt, %broadcast_in_dim3A_215, %lt3A_217 : vector<16xi32>
      %add3A_219 = arith.constant 16 : i32
      %add3A_220 = vector.broadcast %add3A_219 : i32 to vector<16xi32>
      %add3A_221 = arith.addi %broadcast_in_dim3A_215, %add3A_220 : vector<16xi32>
      %select_n3A_222 = arith.select %lt3A_218, %add3A_221, %broadcast_in_dim3A_215 : vector<16xi1>, vector<16xi32>
      %broadcast_in_dim3A_223 = vector.shape_cast %select_n3A_222 : vector<16xi32> to vector<16x1xi32>
      %gather3A_224 = vector.shape_cast %broadcast_in_dim3A_223 : vector<16x1xi32> to vector<16xi32>
      %gather3A_225 = tpu.dynamic_gather %get3A_209[%gather3A_224] in [0] : vector<16xf32>, vector<16xi32> -> vector<16xf32>
      %broadcast_in_dim3A_226 = arith.constant 5 : i32
      %broadcast_in_dim3A_227 = vector.broadcast %broadcast_in_dim3A_226 : i32 to vector<16xi32>
      %lt3A_228 = arith.constant 0 : i32
      %lt3A_229 = vector.broadcast %lt3A_228 : i32 to vector<16xi32>
      %lt3A_230 = arith.cmpi slt, %broadcast_in_dim3A_227, %lt3A_229 : vector<16xi32>
      %add3A_231 = arith.constant 16 : i32
      %add3A_232 = vector.broadcast %add3A_231 : i32 to vector<16xi32>
      %add3A_233 = arith.addi %broadcast_in_dim3A_227, %add3A_232 : vector<16xi32>
      %select_n3A_234 = arith.select %lt3A_230, %add3A_233, %broadcast_in_dim3A_227 : vector<16xi1>, vector<16xi32>
      %broadcast_in_dim3A_235 = vector.shape_cast %select_n3A_234 : vector<16xi32> to vector<16x1xi32>
      %gather3A_236 = vector.shape_cast %broadcast_in_dim3A_235 : vector<16x1xi32> to vector<16xi32>
      %gather3A_237 = tpu.dynamic_gather %get3A_209[%gather3A_236] in [0] : vector<16xf32>, vector<16xi32> -> vector<16xf32>
      %broadcast_in_dim3A_238 = arith.constant 0 : i32
      %broadcast_in_dim3A_239 = vector.broadcast %broadcast_in_dim3A_238 : i32 to vector<16xi32>
      %lt3A_240 = arith.constant 0 : i32
      %lt3A_241 = vector.broadcast %lt3A_240 : i32 to vector<16xi32>
      %lt3A_242 = arith.cmpi slt, %broadcast_in_dim3A_239, %lt3A_241 : vector<16xi32>
      %add3A_243 = arith.constant 16 : i32
      %add3A_244 = vector.broadcast %add3A_243 : i32 to vector<16xi32>
      %add3A_245 = arith.addi %broadcast_in_dim3A_239, %add3A_244 : vector<16xi32>
      %select_n3A_246 = arith.select %lt3A_242, %add3A_245, %broadcast_in_dim3A_239 : vector<16xi1>, vector<16xi32>
      %broadcast_in_dim3A_247 = vector.shape_cast %select_n3A_246 : vector<16xi32> to vector<16x1xi32>
      %gather3A_248 = vector.shape_cast %broadcast_in_dim3A_247 : vector<16x1xi32> to vector<16xi32>
      %gather3A_249 = tpu.dynamic_gather %get3A_213[%gather3A_248] in [0] : vector<16xf32>, vector<16xi32> -> vector<16xf32>
      %broadcast_in_dim3A_250 = arith.constant 10 : i32
      %broadcast_in_dim3A_251 = vector.broadcast %broadcast_in_dim3A_250 : i32 to vector<16xi32>
      %lt3A_252 = arith.constant 0 : i32
      %lt3A_253 = vector.broadcast %lt3A_252 : i32 to vector<16xi32>
      %lt3A_254 = arith.cmpi slt, %broadcast_in_dim3A_251, %lt3A_253 : vector<16xi32>
      %add3A_255 = arith.constant 16 : i32
      %add3A_256 = vector.broadcast %add3A_255 : i32 to vector<16xi32>
      %add3A_257 = arith.addi %broadcast_in_dim3A_251, %add3A_256 : vector<16xi32>
      %select_n3A_258 = arith.select %lt3A_254, %add3A_257, %broadcast_in_dim3A_251 : vector<16xi1>, vector<16xi32>
      %broadcast_in_dim3A_259 = vector.shape_cast %select_n3A_258 : vector<16xi32> to vector<16x1xi32>
      %gather3A_260 = vector.shape_cast %broadcast_in_dim3A_259 : vector<16x1xi32> to vector<16xi32>
      %gather3A_261 = tpu.dynamic_gather %get3A_213[%gather3A_260] in [0] : vector<16xf32>, vector<16xi32> -> vector<16xf32>
      %max3A_262 = arith.maximumf %gather3A_225, %gather3A_249 : vector<16xf32>
      %add3A_263 = arith.addf %gather3A_237, %gather3A_261 : vector<16xf32>
      %max3A_264 = arith.maximumf %max3A_262, %add3A_263 : vector<16xf32>
      %add3A_265 = arith.addf %add3A_205, %max3A_264 : vector<16xf32>
      %get3A_266 = arith.constant 8 : i32
      %get3A_267 = arith.index_cast %get3A_266 : i32 to index
      %get3A_268 = arith.constant 0 : index
      %get3A_269 = tpu.vector_load %arg9[%get3A_267, %get3A_268] {strides = array<i32>} : memref<16x16xf32, #tpu.memory_space<vmem>>, vector<16xf32>,
      %get3A_270 = arith.constant 9 : i32
      %get3A_271 = arith.index_cast %get3A_270 : i32 to index
      %get3A_272 = arith.constant 0 : index
      %get3A_273 = tpu.vector_load %arg9[%get3A_271, %get3A_272] {strides = array<i32>} : memref<16x16xf32, #tpu.memory_space<vmem>>, vector<16xf32>,
      %broadcast_in_dim3A_274 = arith.constant 0 : i32
      %broadcast_in_dim3A_275 = vector.broadcast %broadcast_in_dim3A_274 : i32 to vector<16xi32>
      %lt3A_276 = arith.constant 0 : i32
      %lt3A_277 = vector.broadcast %lt3A_276 : i32 to vector<16xi32>
      %lt3A_278 = arith.cmpi slt, %broadcast_in_dim3A_275, %lt3A_277 : vector<16xi32>
      %add3A_279 = arith.constant 16 : i32
      %add3A_280 = vector.broadcast %add3A_279 : i32 to vector<16xi32>
      %add3A_281 = arith.addi %broadcast_in_dim3A_275, %add3A_280 : vector<16xi32>
      %select_n3A_282 = arith.select %lt3A_278, %add3A_281, %broadcast_in_dim3A_275 : vector<16xi1>, vector<16xi32>
      %broadcast_in_dim3A_283 = vector.shape_cast %select_n3A_282 : vector<16xi32> to vector<16x1xi32>
      %gather3A_284 = vector.shape_cast %broadcast_in_dim3A_283 : vector<16x1xi32> to vector<16xi32>
      %gather3A_285 = tpu.dynamic_gather %get3A_269[%gather3A_284] in [0] : vector<16xf32>, vector<16xi32> -> vector<16xf32>
      %broadcast_in_dim3A_286 = arith.constant 5 : i32
      %broadcast_in_dim3A_287 = vector.broadcast %broadcast_in_dim3A_286 : i32 to vector<16xi32>
      %lt3A_288 = arith.constant 0 : i32
      %lt3A_289 = vector.broadcast %lt3A_288 : i32 to vector<16xi32>
      %lt3A_290 = arith.cmpi slt, %broadcast_in_dim3A_287, %lt3A_289 : vector<16xi32>
      %add3A_291 = arith.constant 16 : i32
      %add3A_292 = vector.broadcast %add3A_291 : i32 to vector<16xi32>
      %add3A_293 = arith.addi %broadcast_in_dim3A_287, %add3A_292 : vector<16xi32>
      %select_n3A_294 = arith.select %lt3A_290, %add3A_293, %broadcast_in_dim3A_287 : vector<16xi1>, vector<16xi32>
      %broadcast_in_dim3A_295 = vector.shape_cast %select_n3A_294 : vector<16xi32> to vector<16x1xi32>
      %gather3A_296 = vector.shape_cast %broadcast_in_dim3A_295 : vector<16x1xi32> to vector<16xi32>
      %gather3A_297 = tpu.dynamic_gather %get3A_269[%gather3A_296] in [0] : vector<16xf32>, vector<16xi32> -> vector<16xf32>
      %broadcast_in_dim3A_298 = arith.constant 0 : i32
      %broadcast_in_dim3A_299 = vector.broadcast %broadcast_in_dim3A_298 : i32 to vector<16xi32>
      %lt3A_300 = arith.constant 0 : i32
      %lt3A_301 = vector.broadcast %lt3A_300 : i32 to vector<16xi32>
      %lt3A_302 = arith.cmpi slt, %broadcast_in_dim3A_299, %lt3A_301 : vector<16xi32>
      %add3A_303 = arith.constant 16 : i32
      %add3A_304 = vector.broadcast %add3A_303 : i32 to vector<16xi32>
      %add3A_305 = arith.addi %broadcast_in_dim3A_299, %add3A_304 : vector<16xi32>
      %select_n3A_306 = arith.select %lt3A_302, %add3A_305, %broadcast_in_dim3A_299 : vector<16xi1>, vector<16xi32>
      %broadcast_in_dim3A_307 = vector.shape_cast %select_n3A_306 : vector<16xi32> to vector<16x1xi32>
      %gather3A_308 = vector.shape_cast %broadcast_in_dim3A_307 : vector<16x1xi32> to vector<16xi32>
      %gather3A_309 = tpu.dynamic_gather %get3A_273[%gather3A_308] in [0] : vector<16xf32>, vector<16xi32> -> vector<16xf32>
      %broadcast_in_dim3A_310 = arith.constant 10 : i32
      %broadcast_in_dim3A_311 = vector.broadcast %broadcast_in_dim3A_310 : i32 to vector<16xi32>
      %lt3A_312 = arith.constant 0 : i32
      %lt3A_313 = vector.broadcast %lt3A_312 : i32 to vector<16xi32>
      %lt3A_314 = arith.cmpi slt, %broadcast_in_dim3A_311, %lt3A_313 : vector<16xi32>
      %add3A_315 = arith.constant 16 : i32
      %add3A_316 = vector.broadcast %add3A_315 : i32 to vector<16xi32>
      %add3A_317 = arith.addi %broadcast_in_dim3A_311, %add3A_316 : vector<16xi32>
      %select_n3A_318 = arith.select %lt3A_314, %add3A_317, %broadcast_in_dim3A_311 : vector<16xi1>, vector<16xi32>
      %broadcast_in_dim3A_319 = vector.shape_cast %select_n3A_318 : vector<16xi32> to vector<16x1xi32>
      %gather3A_320 = vector.shape_cast %broadcast_in_dim3A_319 : vector<16x1xi32> to vector<16xi32>
      %gather3A_321 = tpu.dynamic_gather %get3A_273[%gather3A_320] in [0] : vector<16xf32>, vector<16xi32> -> vector<16xf32>
      %max3A_322 = arith.maximumf %gather3A_285, %gather3A_309 : vector<16xf32>
      %add3A_323 = arith.addf %gather3A_297, %gather3A_321 : vector<16xf32>
      %max3A_324 = arith.maximumf %max3A_322, %add3A_323 : vector<16xf32>
      %add3A_325 = arith.addf %add3A_265, %max3A_324 : vector<16xf32>
      %get3A_326 = arith.constant 10 : i32
      %get3A_327 = arith.index_cast %get3A_326 : i32 to index
      %get3A_328 = arith.constant 0 : index
      %get3A_329 = tpu.vector_load %arg9[%get3A_327, %get3A_328] {strides = array<i32>} : memref<16x16xf32, #tpu.memory_space<vmem>>, vector<16xf32>,
      %get3A_330 = arith.constant 11 : i32
      %get3A_331 = arith.index_cast %get3A_330 : i32 to index
      %get3A_332 = arith.constant 0 : index
      %get3A_333 = tpu.vector_load %arg9[%get3A_331, %get3A_332] {strides = array<i32>} : memref<16x16xf32, #tpu.memory_space<vmem>>, vector<16xf32>,
      %broadcast_in_dim3A_334 = arith.constant 0 : i32
      %broadcast_in_dim3A_335 = vector.broadcast %broadcast_in_dim3A_334 : i32 to vector<16xi32>
      %lt3A_336 = arith.constant 0 : i32
      %lt3A_337 = vector.broadcast %lt3A_336 : i32 to vector<16xi32>
      %lt3A_338 = arith.cmpi slt, %broadcast_in_dim3A_335, %lt3A_337 : vector<16xi32>
      %add3A_339 = arith.constant 16 : i32
      %add3A_340 = vector.broadcast %add3A_339 : i32 to vector<16xi32>
      %add3A_341 = arith.addi %broadcast_in_dim3A_335, %add3A_340 : vector<16xi32>
      %select_n3A_342 = arith.select %lt3A_338, %add3A_341, %broadcast_in_dim3A_335 : vector<16xi1>, vector<16xi32>
      %broadcast_in_dim3A_343 = vector.shape_cast %select_n3A_342 : vector<16xi32> to vector<16x1xi32>
      %gather3A_344 = vector.shape_cast %broadcast_in_dim3A_343 : vector<16x1xi32> to vector<16xi32>
      %gather3A_345 = tpu.dynamic_gather %get3A_329[%gather3A_344] in [0] : vector<16xf32>, vector<16xi32> -> vector<16xf32>
      %broadcast_in_dim3A_346 = arith.constant 5 : i32
      %broadcast_in_dim3A_347 = vector.broadcast %broadcast_in_dim3A_346 : i32 to vector<16xi32>
      %lt3A_348 = arith.constant 0 : i32
      %lt3A_349 = vector.broadcast %lt3A_348 : i32 to vector<16xi32>
      %lt3A_350 = arith.cmpi slt, %broadcast_in_dim3A_347, %lt3A_349 : vector<16xi32>
      %add3A_351 = arith.constant 16 : i32
      %add3A_352 = vector.broadcast %add3A_351 : i32 to vector<16xi32>
      %add3A_353 = arith.addi %broadcast_in_dim3A_347, %add3A_352 : vector<16xi32>
      %select_n3A_354 = arith.select %lt3A_350, %add3A_353, %broadcast_in_dim3A_347 : vector<16xi1>, vector<16xi32>
      %broadcast_in_dim3A_355 = vector.shape_cast %select_n3A_354 : vector<16xi32> to vector<16x1xi32>
      %gather3A_356 = vector.shape_cast %broadcast_in_dim3A_355 : vector<16x1xi32> to vector<16xi32>
      %gather3A_357 = tpu.dynamic_gather %get3A_329[%gather3A_356] in [0] : vector<16xf32>, vector<16xi32> -> vector<16xf32>
      %broadcast_in_dim3A_358 = arith.constant 0 : i32
      %broadcast_in_dim3A_359 = vector.broadcast %broadcast_in_dim3A_358 : i32 to vector<16xi32>
      %lt3A_360 = arith.constant 0 : i32
      %lt3A_361 = vector.broadcast %lt3A_360 : i32 to vector<16xi32>
      %lt3A_362 = arith.cmpi slt, %broadcast_in_dim3A_359, %lt3A_361 : vector<16xi32>
      %add3A_363 = arith.constant 16 : i32
      %add3A_364 = vector.broadcast %add3A_363 : i32 to vector<16xi32>
      %add3A_365 = arith.addi %broadcast_in_dim3A_359, %add3A_364 : vector<16xi32>
      %select_n3A_366 = arith.select %lt3A_362, %add3A_365, %broadcast_in_dim3A_359 : vector<16xi1>, vector<16xi32>
      %broadcast_in_dim3A_367 = vector.shape_cast %select_n3A_366 : vector<16xi32> to vector<16x1xi32>
      %gather3A_368 = vector.shape_cast %broadcast_in_dim3A_367 : vector<16x1xi32> to vector<16xi32>
      %gather3A_369 = tpu.dynamic_gather %get3A_333[%gather3A_368] in [0] : vector<16xf32>, vector<16xi32> -> vector<16xf32>
      %broadcast_in_dim3A_370 = arith.constant 10 : i32
      %broadcast_in_dim3A_371 = vector.broadcast %broadcast_in_dim3A_370 : i32 to vector<16xi32>
      %lt3A_372 = arith.constant 0 : i32
      %lt3A_373 = vector.broadcast %lt3A_372 : i32 to vector<16xi32>
      %lt3A_374 = arith.cmpi slt, %broadcast_in_dim3A_371, %lt3A_373 : vector<16xi32>
      %add3A_375 = arith.constant 16 : i32
      %add3A_376 = vector.broadcast %add3A_375 : i32 to vector<16xi32>
      %add3A_377 = arith.addi %broadcast_in_dim3A_371, %add3A_376 : vector<16xi32>
      %select_n3A_378 = arith.select %lt3A_374, %add3A_377, %broadcast_in_dim3A_371 : vector<16xi1>, vector<16xi32>
      %broadcast_in_dim3A_379 = vector.shape_cast %select_n3A_378 : vector<16xi32> to vector<16x1xi32>
      %gather3A_380 = vector.shape_cast %broadcast_in_dim3A_379 : vector<16x1xi32> to vector<16xi32>
      %gather3A_381 = tpu.dynamic_gather %get3A_333[%gather3A_380] in [0] : vector<16xf32>, vector<16xi32> -> vector<16xf32>
      %max3A_382 = arith.maximumf %gather3A_345, %gather3A_369 : vector<16xf32>
      %add3A_383 = arith.addf %gather3A_357, %gather3A_381 : vector<16xf32>
      %max3A_384 = arith.maximumf %max3A_382, %add3A_383 : vector<16xf32>
      %add3A_385 = arith.addf %add3A_325, %max3A_384 : vector<16xf32>
      %get3A_386 = arith.constant 12 : i32
      %get3A_387 = arith.index_cast %get3A_386 : i32 to index
      %get3A_388 = arith.constant 0 : index
      %get3A_389 = tpu.vector_load %arg9[%get3A_387, %get3A_388] {strides = array<i32>} : memref<16x16xf32, #tpu.memory_space<vmem>>, vector<16xf32>,
      %get3A_390 = arith.constant 13 : i32
      %get3A_391 = arith.index_cast %get3A_390 : i32 to index
      %get3A_392 = arith.constant 0 : index
      %get3A_393 = tpu.vector_load %arg9[%get3A_391, %get3A_392] {strides = array<i32>} : memref<16x16xf32, #tpu.memory_space<vmem>>, vector<16xf32>,
      %broadcast_in_dim3A_394 = arith.constant 0 : i32
      %broadcast_in_dim3A_395 = vector.broadcast %broadcast_in_dim3A_394 : i32 to vector<16xi32>
      %lt3A_396 = arith.constant 0 : i32
      %lt3A_397 = vector.broadcast %lt3A_396 : i32 to vector<16xi32>
      %lt3A_398 = arith.cmpi slt, %broadcast_in_dim3A_395, %lt3A_397 : vector<16xi32>
      %add3A_399 = arith.constant 16 : i32
      %add3A_400 = vector.broadcast %add3A_399 : i32 to vector<16xi32>
      %add3A_401 = arith.addi %broadcast_in_dim3A_395, %add3A_400 : vector<16xi32>
      %select_n3A_402 = arith.select %lt3A_398, %add3A_401, %broadcast_in_dim3A_395 : vector<16xi1>, vector<16xi32>
      %broadcast_in_dim3A_403 = vector.shape_cast %select_n3A_402 : vector<16xi32> to vector<16x1xi32>
      %gather3A_404 = vector.shape_cast %broadcast_in_dim3A_403 : vector<16x1xi32> to vector<16xi32>
      %gather3A_405 = tpu.dynamic_gather %get3A_389[%gather3A_404] in [0] : vector<16xf32>, vector<16xi32> -> vector<16xf32>
      %broadcast_in_dim3A_406 = arith.constant 5 : i32
      %broadcast_in_dim3A_407 = vector.broadcast %broadcast_in_dim3A_406 : i32 to vector<16xi32>
      %lt3A_408 = arith.constant 0 : i32
      %lt3A_409 = vector.broadcast %lt3A_408 : i32 to vector<16xi32>
      %lt3A_410 = arith.cmpi slt, %broadcast_in_dim3A_407, %lt3A_409 : vector<16xi32>
      %add3A_411 = arith.constant 16 : i32
      %add3A_412 = vector.broadcast %add3A_411 : i32 to vector<16xi32>
      %add3A_413 = arith.addi %broadcast_in_dim3A_407, %add3A_412 : vector<16xi32>
      %select_n3A_414 = arith.select %lt3A_410, %add3A_413, %broadcast_in_dim3A_407 : vector<16xi1>, vector<16xi32>
      %broadcast_in_dim3A_415 = vector.shape_cast %select_n3A_414 : vector<16xi32> to vector<16x1xi32>
      %gather3A_416 = vector.shape_cast %broadcast_in_dim3A_415 : vector<16x1xi32> to vector<16xi32>
      %gather3A_417 = tpu.dynamic_gather %get3A_389[%gather3A_416] in [0] : vector<16xf32>, vector<16xi32> -> vector<16xf32>
      %broadcast_in_dim3A_418 = arith.constant 0 : i32
      %broadcast_in_dim3A_419 = vector.broadcast %broadcast_in_dim3A_418 : i32 to vector<16xi32>
      %lt3A_420 = arith.constant 0 : i32
      %lt3A_421 = vector.broadcast %lt3A_420 : i32 to vector<16xi32>
      %lt3A_422 = arith.cmpi slt, %broadcast_in_dim3A_419, %lt3A_421 : vector<16xi32>
      %add3A_423 = arith.constant 16 : i32
      %add3A_424 = vector.broadcast %add3A_423 : i32 to vector<16xi32>
      %add3A_425 = arith.addi %broadcast_in_dim3A_419, %add3A_424 : vector<16xi32>
      %select_n3A_426 = arith.select %lt3A_422, %add3A_425, %broadcast_in_dim3A_419 : vector<16xi1>, vector<16xi32>
      %broadcast_in_dim3A_427 = vector.shape_cast %select_n3A_426 : vector<16xi32> to vector<16x1xi32>
      %gather3A_428 = vector.shape_cast %broadcast_in_dim3A_427 : vector<16x1xi32> to vector<16xi32>
      %gather3A_429 = tpu.dynamic_gather %get3A_393[%gather3A_428] in [0] : vector<16xf32>, vector<16xi32> -> vector<16xf32>
      %broadcast_in_dim3A_430 = arith.constant 10 : i32
      %broadcast_in_dim3A_431 = vector.broadcast %broadcast_in_dim3A_430 : i32 to vector<16xi32>
      %lt3A_432 = arith.constant 0 : i32
      %lt3A_433 = vector.broadcast %lt3A_432 : i32 to vector<16xi32>
      %lt3A_434 = arith.cmpi slt, %broadcast_in_dim3A_431, %lt3A_433 : vector<16xi32>
      %add3A_435 = arith.constant 16 : i32
      %add3A_436 = vector.broadcast %add3A_435 : i32 to vector<16xi32>
      %add3A_437 = arith.addi %broadcast_in_dim3A_431, %add3A_436 : vector<16xi32>
      %select_n3A_438 = arith.select %lt3A_434, %add3A_437, %broadcast_in_dim3A_431 : vector<16xi1>, vector<16xi32>
      %broadcast_in_dim3A_439 = vector.shape_cast %select_n3A_438 : vector<16xi32> to vector<16x1xi32>
      %gather3A_440 = vector.shape_cast %broadcast_in_dim3A_439 : vector<16x1xi32> to vector<16xi32>
      %gather3A_441 = tpu.dynamic_gather %get3A_393[%gather3A_440] in [0] : vector<16xf32>, vector<16xi32> -> vector<16xf32>
      %max3A_442 = arith.maximumf %gather3A_405, %gather3A_429 : vector<16xf32>
      %add3A_443 = arith.addf %gather3A_417, %gather3A_441 : vector<16xf32>
      %max3A_444 = arith.maximumf %max3A_442, %add3A_443 : vector<16xf32>
      %add3A_445 = arith.addf %add3A_385, %max3A_444 : vector<16xf32>
      %get3A_446 = arith.constant 14 : i32
      %get3A_447 = arith.index_cast %get3A_446 : i32 to index
      %get3A_448 = arith.constant 0 : index
      %get3A_449 = tpu.vector_load %arg9[%get3A_447, %get3A_448] {strides = array<i32>} : memref<16x16xf32, #tpu.memory_space<vmem>>, vector<16xf32>,
      %get3A_450 = arith.constant 15 : i32
      %get3A_451 = arith.index_cast %get3A_450 : i32 to index
      %get3A_452 = arith.constant 0 : index
      %get3A_453 = tpu.vector_load %arg9[%get3A_451, %get3A_452] {strides = array<i32>} : memref<16x16xf32, #tpu.memory_space<vmem>>, vector<16xf32>,
      %broadcast_in_dim3A_454 = arith.constant 0 : i32
      %broadcast_in_dim3A_455 = vector.broadcast %broadcast_in_dim3A_454 : i32 to vector<16xi32>
      %lt3A_456 = arith.constant 0 : i32
      %lt3A_457 = vector.broadcast %lt3A_456 : i32 to vector<16xi32>
      %lt3A_458 = arith.cmpi slt, %broadcast_in_dim3A_455, %lt3A_457 : vector<16xi32>
      %add3A_459 = arith.constant 16 : i32
      %add3A_460 = vector.broadcast %add3A_459 : i32 to vector<16xi32>
      %add3A_461 = arith.addi %broadcast_in_dim3A_455, %add3A_460 : vector<16xi32>
      %select_n3A_462 = arith.select %lt3A_458, %add3A_461, %broadcast_in_dim3A_455 : vector<16xi1>, vector<16xi32>
      %broadcast_in_dim3A_463 = vector.shape_cast %select_n3A_462 : vector<16xi32> to vector<16x1xi32>
      %gather3A_464 = vector.shape_cast %broadcast_in_dim3A_463 : vector<16x1xi32> to vector<16xi32>
      %gather3A_465 = tpu.dynamic_gather %get3A_449[%gather3A_464] in [0] : vector<16xf32>, vector<16xi32> -> vector<16xf32>
      %broadcast_in_dim3A_466 = arith.constant 5 : i32
      %broadcast_in_dim3A_467 = vector.broadcast %broadcast_in_dim3A_466 : i32 to vector<16xi32>
      %lt3A_468 = arith.constant 0 : i32
      %lt3A_469 = vector.broadcast %lt3A_468 : i32 to vector<16xi32>
      %lt3A_470 = arith.cmpi slt, %broadcast_in_dim3A_467, %lt3A_469 : vector<16xi32>
      %add3A_471 = arith.constant 16 : i32
      %add3A_472 = vector.broadcast %add3A_471 : i32 to vector<16xi32>
      %add3A_473 = arith.addi %broadcast_in_dim3A_467, %add3A_472 : vector<16xi32>
      %select_n3A_474 = arith.select %lt3A_470, %add3A_473, %broadcast_in_dim3A_467 : vector<16xi1>, vector<16xi32>
      %broadcast_in_dim3A_475 = vector.shape_cast %select_n3A_474 : vector<16xi32> to vector<16x1xi32>
      %gather3A_476 = vector.shape_cast %broadcast_in_dim3A_475 : vector<16x1xi32> to vector<16xi32>
      %gather3A_477 = tpu.dynamic_gather %get3A_449[%gather3A_476] in [0] : vector<16xf32>, vector<16xi32> -> vector<16xf32>
      %broadcast_in_dim3A_478 = arith.constant 0 : i32
      %broadcast_in_dim3A_479 = vector.broadcast %broadcast_in_dim3A_478 : i32 to vector<16xi32>
      %lt3A_480 = arith.constant 0 : i32
      %lt3A_481 = vector.broadcast %lt3A_480 : i32 to vector<16xi32>
      %lt3A_482 = arith.cmpi slt, %broadcast_in_dim3A_479, %lt3A_481 : vector<16xi32>
      %add3A_483 = arith.constant 16 : i32
      %add3A_484 = vector.broadcast %add3A_483 : i32 to vector<16xi32>
      %add3A_485 = arith.addi %broadcast_in_dim3A_479, %add3A_484 : vector<16xi32>
      %select_n3A_486 = arith.select %lt3A_482, %add3A_485, %broadcast_in_dim3A_479 : vector<16xi1>, vector<16xi32>
      %broadcast_in_dim3A_487 = vector.shape_cast %select_n3A_486 : vector<16xi32> to vector<16x1xi32>
      %gather3A_488 = vector.shape_cast %broadcast_in_dim3A_487 : vector<16x1xi32> to vector<16xi32>
      %gather3A_489 = tpu.dynamic_gather %get3A_453[%gather3A_488] in [0] : vector<16xf32>, vector<16xi32> -> vector<16xf32>
      %broadcast_in_dim3A_490 = arith.constant 10 : i32
      %broadcast_in_dim3A_491 = vector.broadcast %broadcast_in_dim3A_490 : i32 to vector<16xi32>
      %lt3A_492 = arith.constant 0 : i32
      %lt3A_493 = vector.broadcast %lt3A_492 : i32 to vector<16xi32>
      %lt3A_494 = arith.cmpi slt, %broadcast_in_dim3A_491, %lt3A_493 : vector<16xi32>
      %add3A_495 = arith.constant 16 : i32
      %add3A_496 = vector.broadcast %add3A_495 : i32 to vector<16xi32>
      %add3A_497 = arith.addi %broadcast_in_dim3A_491, %add3A_496 : vector<16xi32>
      %select_n3A_498 = arith.select %lt3A_494, %add3A_497, %broadcast_in_dim3A_491 : vector<16xi1>, vector<16xi32>
      %broadcast_in_dim3A_499 = vector.shape_cast %select_n3A_498 : vector<16xi32> to vector<16x1xi32>
      %gather3A_500 = vector.shape_cast %broadcast_in_dim3A_499 : vector<16x1xi32> to vector<16xi32>
      %gather3A_501 = tpu.dynamic_gather %get3A_453[%gather3A_500] in [0] : vector<16xf32>, vector<16xi32> -> vector<16xf32>
      %max3A_502 = arith.maximumf %gather3A_465, %gather3A_489 : vector<16xf32>
      %add3A_503 = arith.addf %gather3A_477, %gather3A_501 : vector<16xf32>
      %max3A_504 = arith.maximumf %max3A_502, %add3A_503 : vector<16xf32>
      %add3A_505 = arith.addf %add3A_445, %max3A_504 : vector<16xf32>
      %mul3A_506 = arith.constant 1.250000e-01 : f32
      %mul3A_507 = vector.broadcast %mul3A_506 : f32 to vector<16xf32>
      %mul3A_508 = arith.mulf %add3A_505, %mul3A_507 : vector<16xf32>
      %swap3A = arith.constant 0 : index
      %swap3A_509 = tpu.vector_load %arg8[%swap3A] {strides = array<i32>} : memref<16xf32, #tpu.memory_space<vmem>>, vector<16xf32>,
      tpu.vector_store %arg8[%swap3A], %mul3A_508 {strides = array<i32>} : memref<16xf32, #tpu.memory_space<vmem>>, vector<16xf32>,
      "tpu.region"() ({
        %run_scoped3A = tpu.sem_alloc : memref<!tpu.dma_semaphore, #tpu.memory_space<semaphore_mem>>
        tpu.enqueue_dma source(%arg8 : memref<16xf32, #tpu.memory_space<vmem>>) target(%arg5 : memref<16xf32, #tpu.memory_space<hbm>>) target_semaphore(%run_scoped3A : memref<!tpu.dma_semaphore, #tpu.memory_space<semaphore_mem>>)
        tpu.wait_dma2 semaphore(%run_scoped3A : memref<!tpu.dma_semaphore, #tpu.memory_space<semaphore_mem>>) src(%arg8 : memref<16xf32, #tpu.memory_space<vmem>>) dst(%arg5 : memref<16xf32, #tpu.memory_space<hbm>>)
        tpu.yield
      }) : () -> ()
    } else {
    }
    return
  }
}

</mosaic_0001>

<sc_bundles>
// kernel: kernel.3.cloned.1.call-start
scs
__scs_entry_jumppad:
0x0: {  	(pc) =	sbr.rel $0x88, $3  }
0x1: {  	(tag) =	ssettag $0x0;
	lr =	simm.s32 $0x1  }
0x2: {  	[smem:$0x3F9E] =	sst lr;
	_ =	strace $0xD0000000  }
0x3: {  	_ = 	snop  }
0x4: {  	_ = 	snop  }
0x5: {  	_ = 	snop  }
0x6: {  	_ = 	snop  }
0x7: {  	_ = 	snop  }
__scs_overlays_trampoline_lowered:
0x8: {  	[smem:$0x3FAD] =	sst s0  }
0x9: {  	[smem:$0x3FAE] =	sst s1  }
0xa: {  	[smem:$0x3FAF] =	sst s2  }
0xb: {  	[smem:$0x3FB0] =	sst s3  }
0xc: {  	[smem:$0x3FB1] =	sst s4  }
0xd: {  	[smem:$0x3FB2] =	sst s5  }
0xe: {  	[smem:$0x3FB3] =	sst s6  }
0xf: {  	[smem:$0x3FB4] =	sst s7  }
0x10: {  	[smem:$0x3FB5] =	sst s8  }
0x11: {  	[smem:$0x3FB6] =	sst s9;
	s0 =	simm.s32 @!p0 $0x0  }
0x12: {  	s1 =	sld [smem:$0x3F9C];
	s0 =	simm.s32 @p0 $0x1  }
0x13: {  	[smem:$0x3FB7] =	sst s0;
	s0 =	simm.s32 @!p1 $0x0  }
0x14: {  	s2 =	sld [smem:$0x3F9B];
	s0 =	simm.s32 @p1 $0x1  }
0x15: {  	[smem:$0x3FB8] =	sst s0;
	s0 =	simm.s32 @!p2 $0x0  }
0x16: {  	s3 =	sld [smem:$0x3FDB];
	s0 =	simm.s32 @p2 $0x1  }
0x17: {  	s4 =	simm.s32 $0x1BF5;
	[smem:$0x3FBA] =	sst s0  }
0x18: {  	s0 =	sld [smem:$0x3F9D];
	_ =	swait.ge [sflag:s4], $0x0  }
0x19: {  	s7 =	sld [smem:$0x3F9E]  }
0x1a: {  	s8 =	sadd.s32 $0xFFFFE003, lr  }
0x1b: {  	s9 =	sadd.s32 $0xFFFFFEF7, lr;
	s5 =	simm.s32 $0xFFFFFFFF;
	p2 =	slt.u32 s8, $0xFFFFF086  }
0x1c: {  	p1 =	slt.u32 s9, $0xF7A;
	s5 =	simm.s32 @!p2 $0x0  }
0x1d: {  	s5 =	simm.s32 @p1 $0x1;
	p0 =	seq.s32 s7, s2  }
0x1e: {  	s7 =	smul.u32 @!p0 $0xF7A, s2;
	p2 =	seq.s32 @!p0 s5, $0x0  }
0x1f: {  	s9 =	smul.u32 $0xF7A, s1;
	s8 =	simm.s32 @!p0 $0x1BF5;
	p2 =	por !p2, p0  }
0x20: {  	[sflag:s8] =	ssyncset.s32 @!p0 $0xFFFFF086;
	s6 =	sadd.s32 @!p0 s3, s7;
	s7 =	simm.s32 @!p0 $0x108  }
0x21: {  	s3 =	sadd.s32 s3, s9;
	s6 =	sadd.s32 @!p0 $0x88, s6;
	s7 =	simm.s32 @p2 $0x1082  }
0x22: {  	[simem:s7], [sflag:s8] =	dma.local @!p0 [hbm:s6], $0xF7A  }
0x23: {  	s9 =	sor.u32 $0xD0000000, s2;
	s6 =	simm.s32 $0x108;
	_ =	swait.ge @!p0 [sflag:s8], $0x0  }
0x24: {  	s3 =	sadd.s32 $0x88, s3;
	s6 =	simm.s32 @!p1 $0x1082;
	[sflag:s4] =	ssyncset.s32 $0xFFFFF086  }
0x25: {  	[simem:s6], [sflag:s4] =	dma.local [hbm:s3], $0xF7A  }
0x26: {  	[smem:$0x3F9E] =	sst s1;
	(tag) =	ssettag s2;
	_ =	strace s9  }
0x27: {  	s1 =	sld [smem:$0x3FAE]  }
0x28: {  	s2 =	sld [smem:$0x3FAF]  }
0x29: {  	s4 =	sld [smem:$0x3FB1]  }
0x2a: {  	p0 =	seq.s32 s5, $0x0;
	s5 =	sld [smem:$0x3FB2]  }
0x2b: {  	s6 =	sld [smem:$0x3FB3]  }
0x2c: {  	s7 =	sld [smem:$0x3FB4]  }
0x2d: {  	s3 =	simm.s32 $0x108;
	s8 =	sld [smem:$0x3FB5]  }
0x2e: {  	s3 =	simm.s32 @!p0 $0x1082;
	s9 =	sld [smem:$0x3FB6]  }
0x2f: {  	lr =	sadd.s32 s0, s3;
	s0 =	sld [smem:$0x3FAD]  }
0x30: {  	s3 =	sld [smem:$0x3FB0]  }
0x31: {  	[smem:$0x3FB9] =	sst s10  }
0x32: {  	s10 =	sld [smem:$0x3FB7];
	_ =	sdelay $0x3  }
0x33: {  	p0 =	seq.s32 s10, $0x1;
	s10 =	sld [smem:$0x3FB9];
	_ =	sdelay $0x3  }
0x34: {  	[smem:$0x3FB9] =	sst s10  }
0x35: {  	s10 =	sld [smem:$0x3FB8];
	_ =	sdelay $0x3  }
0x36: {  	p1 =	seq.s32 s10, $0x1;
	s10 =	sld [smem:$0x3FB9];
	_ =	sdelay $0x3  }
0x37: {  	[smem:$0x3FB9] =	sst s10  }
0x38: {  	s10 =	sld [smem:$0x3FBA]  }
0x39: {  	_ = 	snop;
	(pc) =	sbr.ind lr, $3  }
0x3a: {  	_ = 	snop  }
0x3b: {  	_ = 	snop  }
0x3c: {  	p2 =	seq.s32 s10, $0x1;
	s10 =	sld [smem:$0x3FB9]  }
0x3d: {  	_ =	shalt  }
0x3e: {  	_ =	shalt  }
0x3f: {  	_ =	shalt  }
0x40: {  	_ =	shalt  }
0x41: {  	_ =	shalt  }
0x42: {  	_ =	shalt  }
0x43: {  	_ =	shalt  }
0x44: {  	_ =	shalt  }
0x45: {  	_ =	shalt  }
0x46: {  	_ =	shalt  }
0x47: {  	_ =	shalt  }
0x48: {  	_ =	shalt  }
0x49: {  	_ =	shalt  }
0x4a: {  	_ =	shalt  }
0x4b: {  	_ =	shalt  }
0x4c: {  	_ =	shalt  }
0x4d: {  	_ =	shalt  }
0x4e: {  	_ =	shalt  }
0x4f: {  	_ =	shalt  }
0x50: {  	_ =	shalt  }
0x51: {  	_ =	shalt  }
0x52: {  	_ =	shalt  }
0x53: {  	_ =	shalt  }
0x54: {  	_ =	shalt  }
0x55: {  	_ =	shalt  }
0x56: {  	_ =	shalt  }
0x57: {  	_ =	shalt  }
0x58: {  	_ =	shalt  }
0x59: {  	_ =	shalt  }
0x5a: {  	_ =	shalt  }
0x5b: {  	_ =	shalt  }
0x5c: {  	_ =	shalt  }
0x5d: {  	_ =	shalt  }
0x5e: {  	_ =	shalt  }
0x5f: {  	_ =	shalt  }
0x60: {  	_ =	shalt  }
0x61: {  	_ =	shalt  }
0x62: {  	_ =	shalt  }
0x63: {  	_ =	shalt  }
0x64: {  	_ =	shalt  }
0x65: {  	_ =	shalt  }
0x66: {  	_ =	shalt  }
0x67: {  	_ =	shalt  }
0x68: {  	_ =	shalt  }
0x69: {  	_ =	shalt  }
0x6a: {  	_ =	shalt  }
0x6b: {  	_ =	shalt  }
0x6c: {  	_ =	shalt  }
0x6d: {  	_ =	shalt  }
0x6e: {  	_ =	shalt  }
0x6f: {  	_ =	shalt  }
0x70: {  	_ =	shalt  }
0x71: {  	_ =	shalt  }
0x72: {  	_ =	shalt  }
0x73: {  	_ =	shalt  }
0x74: {  	_ =	shalt  }
0x75: {  	_ =	shalt  }
0x76: {  	_ =	shalt  }
0x77: {  	_ =	shalt  }
0x78: {  	_ =	shalt  }
0x79: {  	_ =	shalt  }
0x7a: {  	_ =	shalt  }
0x7b: {  	_ =	shalt  }
0x7c: {  	_ =	shalt  }
0x7d: {  	_ =	shalt  }
0x7e: {  	_ =	shalt  }
0x7f: {  	_ =	shalt  }
0x80: {  	_ =	shalt  }
0x81: {  	_ =	shalt  }
0x82: {  	_ =	shalt  }
0x83: {  	_ =	shalt  }
0x84: {  	_ =	shalt  }
0x85: {  	_ =	shalt  }
0x86: {  	_ =	shalt  }
0x87: {  	_ =	shalt  }
.Lfunc_end0:
.L_simem_size_0:
called_computation_lowered:
.L_overlay_start_0:
0x88: {  	s0 =	sld [smem:$0x3FD9]  }
0x89: {  	s1 =	sld [smem:$0x3FFE];
	_ =	sdelay $0x3  }
0x8a: {  	s0 =	sadd.s32 s1, s0  }
0x8b: {  	[smem:$0x3FC5] =	sst s0  }
0x8c: {  	_ = 	snop  }
0x8d: {  	s0 =	sld [smem:$0x3FC9]  }
0x8e: {  	s16 =	sld [smem:$0x3FD0];
	(tm) =	ssettm $0x1  }
0x8f: {  	s2 =	sld [smem:$0x3FFB];
	_ =	sdelay $0x3  }
0x90: {  	_ =	strace s2  }
0x91: {  	s2 =	sld [smem:$0x3FFC];
	_ =	sdelay $0x3  }
0x92: {  	_ =	strace s2  }
0x93: {  	s2 =	sld [smem:$0x3FFD];
	_ =	sdelay $0x3  }
0x94: {  	_ =	strace s2  }
0x95: {  	_ =	strace $0x8FFFFFFF  }
0x96: {  	s17 =	sld [smem:$0x3FDB];
	_ =	sdelay $0x1  }
0x97: {  	s3 =	simm.s32 $_scs_section_size  }
0x98: {  	s4 =	simm.s32 $_size__tile_overlayer_lowered;
	s5 =	simm.s32 $_tile_overlayer_lowered  }
0x99: {  	s20 =	simm.s32 $0x1BFF;
	s19 =	sshll.u32 s5, $0x1;
	s2 =	sadd.s32 s3, s17  }
0x9a: {  	s6 =	simm.s32 $0x0;
	s18 =	sshll.u32 s4, $0x1;
	s4 =	sadd.s32 s19, s2  }
0x9b: {  	[timem:s6], [sflag:s20] =	dma.local [hbm:s4], s18  }
0x9c: {  	_ =	swait.ge [sflag:s20], s18  }
0x9d: {  	s3 =	ssub.s32 $0x0, s18;
	[sflag:s20] =	ssyncset.done $0x0  }
0x9e: {  	[sflag:s20] =	ssyncadd.s32 s3;
	_ =	sdelay $0x1  }
0x9f: {  	s21 =	simm.s32 $0x1B8B  }
0xa0: {  	_ =	swait.ge [sflag:s21], $0x1  }
0xa1: {  	[sflag:s21] =	ssyncset.done $0x0  }
0xa2: {  	s23 =	simm.s32 $0x1B8E;
	s22 =	sld [smem:$0x3FFE];
	[sflag:s21] =	ssyncadd.s32 $0xFFFFFFFF  }
0xa3: {  	s24 =	simm.s32 $execute0_lowered;
	[smem:$0x3FD2] =	sst s23  }
0xa4: {  	s4 =	sshll.u32 s24, $0x1;
	_ =	strace $0x80000046;
	[dreg:$0x1] =	wrdreg $0xFFFFFFFF  }
0xa5: {  	s25 =	simm.s32 $_size_execute0_lowered;
	s2 =	sadd.s32 s2, s4;
	[dreg:$0x0] =	wrdreg $0x0  }
0xa6: {  	s4 =	sshll.u32 s25, $0x1;
	[dreg:$0x2] =	wrdreg s2  }
0xa7: {  	[dreg:$0x3] =	wrdreg s4  }
0xa8: {  	[dreg:$0x4] =	wrdreg $0xC0  }
0xa9: {  	_ =	task [dreg:s6], $0x5FFFF  }
0xaa: {  	[dreg:$0x1] =	wrdreg $0xFFFFFFFF  }
0xab: {  	[dreg:$0x0] =	wrdreg $0x60  }
0xac: {  	[dreg:$0x2] =	wrdreg s0  }
0xad: {  	[dreg:$0x3] =	wrdreg s22  }
0xae: {  	[dreg:$0x4] =	wrdreg s16  }
0xaf: {  	[dreg:$0x5] =	wrdreg $0x9  }
0xb0: {  	_ =	task.clear_ibuf [dreg:s6], $0x6FFFF;
	_ =	strace $0x90000046  }
0xb1: {  	s26 =	simm.s32 $0x9;
	_ =	strace $0x80000048  }
0xb2: {  	_ =	swait.ge [sflag:s26], $0x1  }
0xb3: {  	[sflag:s26] =	ssyncadd.s32 $0xFFFFFFFF  }
0xb4: {  	_ =	strace $0x90000048  }
0xb5: {  	_ =	sfence  }
0xb6: {  	s28 =	sld [smem:$0x0];
	_ =	sdelay $0x1  }
0xb7: {  	s29 =	srdreg.scid  }
0xb8: {  	s30 =	sshll.u32 s29, $0xD;
	s31 =	sshrl.u32 s29, $0x2  }
0xb9: {  	s1 =	sand.u32 $0x1, s29;
	s2 =	sand.u32 $0x4000, s30;
	s0 =	sadd.s32 s31, s28  }
0xba: {  	s1 =	sor.u32 s2, s1;
	s0 =	sshll.u32 s0, $0x11  }
0xbb: {  	s0 =	sor.u32 s0, s1  }
0xbc: {  	s0 =	sadd.s32 $0x8F2B, s0  }
0xbd: {  	[sflag:s0] =	ssyncadd.remote.s32 $0x1  }
0xbe: {  	_ =	sfence.sel $0xFFFF  }
0xbf: {  	[dreg:$0x0] =	wrdreg $0xFFFFFFFF;
	(pc) =	sbr.abs _section_cstart, $3  }
0xc0: {  	[dreg:$0x1] =	wrdreg $0xFFFFFFFF  }
0xc1: {  	_ =	task.clear_ibuf [dreg:s6], $0x2FFFF;
	_ =	strace $0x9FFFFFFF  }
0xc2: {  	(tm) =	ssettm $0x7FFFFFFF  }
0xc3: {  	_ =	shalt  }
tec
execute0_lowered:
.L_overlay_start_1:
0x0: {  	(tag) =	ssettag $0x1  }
0x1: {  	s3 =	rddreg [dreg:$0x0]  }
0x2: {  	s4 =	rddreg [dreg:$0x1]  }
0x3: {  	s1 =	rddreg [dreg:$0x2]  }
0x4: {  	s2 =	stileid.u32;
	s0 =	rddreg [dreg:$0x3]  }
0x5: {  	s5 =	simm.s32 $0x0;
	s17 =	simm.s32 $0x80;
	s6 =	sshll.u32 s2, $0x3  }
0x6: {  	s8 =	simm.s32 $0x400;
	[smem:$0x7FF] =	sst s5;
	s6 =	sand.u32 $0x70, s6  }
0x7: {  	_ =	strace $0x80000047;
	s7 =	sadd.s32 s6, s4;
	s3 =	sadd.s32 s3, s6  }
0x8: {  	[tilespmem:s5], [sflag:$0x1] =	stream.strided.gather [hbm4b:s3+s17], $0x800, s8, s17, $0x38;
	[tilespmem:$0x1100] =	vst v63  }
0x9: {  	s19 =	simm.s32 $0x800;
	s20 =	simm.s32 $0x1;
	s18 =	sadd.s32 $0xA00, s7  }
0xa: {  	[tilespmem:s19], [sflag:$0x2] =	stream.linear.gather [hbm4b:s18+s5], $0x80, $0x38;
	[tilespmem:$0x1100] =	vst v63  }
0xb: {  	_ =	swait.ge [sflag:s20], $0x800  }
0xc: {  	[sflag:s20] =	ssyncset.done $0x0  }
0xd: {  	s21 =	simm.s32 $0x2;
	[sflag:s20] =	ssyncadd.s32 $0xFFFFF800  }
0xe: {  	_ =	swait.ge [sflag:s21], $0x80  }
0xf: {  	[sflag:s21] =	ssyncset.done $0x0  }
0x10: {  	[sflag:s21] =	ssyncadd.s32 $0xFFFFFF80  }
0x11: {  	v4 =	vld [tilespmem:$0x800];
	_ =	sdelay $0x1  }
0x12: {  	s3 =	sand.u32 $0x1, s2  }
0x13: {  	s22 =	smul.u32 $0x3F0, s3  }
0x14: {  	v0 =	vimm.s32 $0x1  }
0x15: {  	v7 =	vlaneseq.u32;
	s24 =	sadd.s32 $0x400, s22;
	v3 =	vperm.xlane v4, v0  }
0x16: {  	v12 =	vor.u32 s24, v7  }
0x17: {  	v2 =	vimm.s32 $0x2;
	v8 =	vimm.s32 $0x39000000;
	v5 =	vsub.s32 v3, v12  }
0x18: {  	v8 =	vunpack.c.l.s2.s4 v8;
	v2 =	vperm.xlane v4, v2;
	v6 =	vsub.s32 $0x0, v5  }
0x19: {  	v1 =	vimm.s32 $0x0;
	v10 =	vimm.f32 $-Inf;
	s23 =	sshll.u32 s3, $0xA;
	v5 =	vmin.u32 v5, v6  }
0x1a: {  	v9 =	vmul.u32 $0xFFFFFFFF, v7;
	v11 =	vunpack.c.l.s4.s8 v8;
	s8 =	sadd.s32 $0x40B, s23;
	s9 =	sand.u32 $0x70, s22;
	s25 =	sand.u32 $0xFFFFFF80, s24;
	v5 =	vsub.s32 v5, v2  }
0x1b: {  	v0 =	vmov s8;
	s8 =	sor.u32 s9, s25;
	v6 =	vimm.s32 $0xCBA98765;
	vm0 =	vgt.s32 v5, $0x0  }
0x1c: {  	v8 =	vadd.s32 $0xF, v9;
	v16 =	vld [tilespmem:s8+$0x0];
	v6 =	vunpack.c.l.s4.s8 v6;
	v5 =	vnsel vm0, $0x0, v5  }
0x1d: {  	v9 =	vimm.s32 $0xF0F0E0D;
	v11 =	vunpack.c.0.s8.s32 v11;
	v5 =	vcvt.s32.f32 v5  }
0x1e: {  	vm1 =	vcmask $0x3B00;
	v9 =	vunpack.c.0.s8.s32 v9;
	v6 =	vunpack.c.0.s8.s32 v6  }
0x1f: {  	v11 =	vand.u32 $0x3, v11;
	vm0 =	vcmask $0x1F00;
	v13 =	vmul.f32 $5.000000000e-01, v5  }
0x20: {  	s7 =	sadd.s32 $0xFFFFFFF0, s22;
	v4 =	vperm.xlane v4, v1;
	v6 =	vnsel vm0, $0xF, v6;
	vm0 =	vcmask $0x2F20  }
0x21: {  	s26 =	sadd.s32 $0x400, s7;
	v5 =	vsel vm0, v9, v6;
	v6 =	vnsel vm1, $0x4, v11;
	v11 =	vadd.f32 v16, v13  }
0x22: {  	v15 =	vsub.s32 v4, v12;
	vm1 =	vlt.s32 v12, $0x800;
	v9 =	vor.u32 s26, v7  }
0x23: {  	v18 =	vsub.s32 $0x0, v15;
	v14 =	vsub.s32 v3, v9;
	v11 =	vnsel vm1, $0xFF800000, v11  }
0x24: {  	v15 =	vmin.u32 v15, v18;
	v17 =	vsub.s32 $0x0, v14;
	v11 =	vperm.xlane v11, v8  }
0x25: {  	vm6 =	vle.s32 v12, v0;
	v15 =	vsub.s32 v15, v2;
	v14 =	vmin.u32 v14, v17  }
0x26: {  	s10 =	sand.u32 $0x70, s7;
	s28 =	sand.u32 $0xFFFFFF80, s26;
	vm3 =	vgt.s32 v15, $0x0;
	v17 =	vsub.s32 v4, v9;
	(xrf0) =	vmax.scan.msk.f32 $0xffff, v11;
	v11 =	vsub.s32 v14, v2  }
0x27: {  	s9 =	sor.u32 s10, s28;
	v15 =	vnsel vm3, $0x0, v15;
	v14 =	vsub.s32 $0x0, v17;
	vm2 =	vgt.s32 v11, $0x0  }
0x28: {  	v18 =	vcvt.s32.f32 v15;
	v17 =	vmin.u32 v17, v14;
	v14 =	vld [tilespmem:s9+$0x0];
	v11 =	vnsel vm2, $0x0, v11  }
0x29: {  	vm0 =	vmmov $0x7ff;
	vm4 =	vlt.s32 v9, $0x800;
	v11 =	vcvt.s32.f32 v11  }
0x2a: {  	vm3 =	vgt.s32 v9, $0x4;
	v13 =	vadd.s32 $0xFFFFFFFB, v7;
	vm1 =	vgt.s32 v12, $0x4  }
0x2b: {  	vm3 =	vmmov vm3;
	vm1 =	vmmov vm1;
	v11 =	vmul.f32 $5.000000000e-01, v11  }
0x2c: {  	s29 =	sadd.s32 $0xFFFFFFF0, s7;
	v19 =	vadd.s32 s24, v13;
	vm5 =	vmmov vm1;
	v17 =	vsub.s32 v17, v2  }
0x2d: {  	s7 =	sadd.s32 $0x400, s29;
	vm5 =	vmand vm5, vm6;
	vm2 =	vgt.s32 v17, $0x0;
	v21 =	vadd.f32 v14, v11  }
0x2e: {  	v15 =	vnsel vm2, $0x0, v17;
	vm2 =	vlt.u32 v19, $0x7FB;
	v11 =	vor.u32 s7, v7  }
0x2f: {  	v15 =	vcvt.s32.f32 v15;
	v17, _, _ =	vpop (xrf0);
	v12 =	vsub.s32 v3, v11;
	v19 =	vnsel vm4, $0xFF800000, v21  }
0x30: {  	v20 =	vperm.xlane v17, v8;
	v22 =	vsub.s32 $0x0, v12;
	v19 =	vperm.xlane v19, v8  }
0x31: {  	v17 =	vadd.s32 s26, v13;
	v21 =	vsub.s32 v4, v11;
	v12 =	vmin.u32 v12, v22  }
0x32: {  	s31 =	sand.u32 $0x70, s29;
	s30 =	sand.u32 $0xFFFFFF80, s7;
	v23 =	vsub.s32 $0x0, v21;
	v12 =	vsub.s32 v12, v2;
	(xrf0) =	vmax.scan.msk.f32 $0xffff, v19;
	v19 =	vperm.xlane v10, v1  }
0x33: {  	s6 =	sor.u32 s31, s30;
	v22 =	vmul.f32 $5.000000000e-01, v18;
	v21 =	vmin.u32 v21, v23;
	vm7 =	vgt.s32 v12, $0x0  }
0x34: {  	v18 =	vld [tilespmem:s6+$0x0];
	v23 =	vnsel vm7, $0x0, v12;
	v19 =	vmax.f32 v20, v19;
	v20 =	vperm.xlane v10, v6  }
0x35: {  	vm1 =	vgt.s32 v11, $0x4;
	v23 =	vcvt.s32.f32 v23;
	v24 =	vperm.xlane v19, v5  }
0x36: {  	s5 =	sxor.u32 s3, s5;
	vm4 =	vlt.s32 v11, $0x800;
	v21 =	vsub.s32 v21, v2;
	v16 =	vadd.f32 v16, v22  }
0x37: {  	p0 =	seq.s32 s5, $0x3F;
	vm7 =	vgt.s32 v21, $0x0;
	v22 =	vmul.f32 $5.000000000e-01, v23;
	v20 =	vsel vm0, v24, v20  }
0x38: {  	v21 =	vnsel vm7, $0x0, v21;
	v12 =	vpsel p0, v19, v10;
	v24 =	vadd.f32 v20, v16  }
0x39: {  	s4 =	sadd.s32 $0xC00, s4;
	s5 =	simm.s32 $0x1;
	v23, _, _ =	vpop (xrf0);
	v20 =	vcvt.s32.f32 v21;
	v16 =	vmax.f32 v10, v16;
	v22 =	vadd.f32 v18, v22  }
0x3a: {  	s8 =	simm.s32 $0x3;
	s9 =	sadd.s32 $0xFFFFFFF0, s29;
	s6 =	simm.s32 $0x2;
	v21 =	vperm.xlane v23, v8;
	v16 =	vsel vm5, v16, v10;
	v23 =	vmax.f32 v10, v24  }
.LBB2_1:
0x3b: {  	p0 =	sne.s32 s8, $0x40;
	v10 =	vsel vm2, v23, v10;
	vm2 =	vlt.u32 v17, $0x7FB  }
0x3c: {  	v17 =	vadd.s32 s7, v13;
	s7 =	sadd.s32 $0x400, s9;
	vm5 =	vmmov vm3;
	vm3 =	vmmov vm1;
	s10 =	smov.u32 s8;
	s8 =	sadd.s32 $0x1, s8  }
0x3d: {  	vm6 =	vle.s32 v9, v0;
	v9 =	vmovc v11;
	s11 =	sand.u32 $0xFFFFFF80, s7;
	v22 =	vnsel vm4, $0xFF800000, v22;
	v11 =	vor.u32 s7, v7  }
0x3e: {  	vm4 =	vlt.s32 v11, $0x800;
	v23 =	vsub.s32 v3, v11;
	v22 =	vperm.xlane v22, v8  }
0x3f: {  	v24 =	vsub.s32 v4, v11;
	vm1 =	vgt.s32 v11, $0x4;
	v25 =	vsub.s32 $0x0, v23  }
0x40: {  	v26 =	vsub.s32 $0x0, v24;
	v23 =	vmin.u32 v23, v25;
	(xrf0) =	vmax.scan.msk.f32 $0xffff, v22;
	v22 =	vperm.xlane v19, v1  }
0x41: {  	s12 =	sand.u32 $0x70, s9;
	s13 =	sxor.u32 s3, s5;
	s5 =	smov.u32 s6;
	v24 =	vmin.u32 v24, v26;
	v25 =	vmul.f32 $5.000000000e-01, v15;
	v15 =	vmovc v20;
	v23 =	vsub.s32 v23, v2  }
0x42: {  	p1 =	seq.s32 s13, $0x3F;
	s6 =	smov.u32 s10;
	s11 =	sor.u32 s12, s11;
	v20 =	vperm.xlane v19, v6;
	vm7 =	vgt.s32 v23, $0x0;
	v19 =	vmax.f32 v21, v22  }
0x43: {  	v26 =	vld [tilespmem:s11+$0x0];
	v21 =	vnsel vm7, $0x0, v23;
	v22 =	vperm.xlane v19, v5;
	v12 =	vpsel p1, v19, v12  }
.Ltmp0:
0x44: {  	v23 =	vsub.s32 v24, v2;
	v24 =	vadd.f32 v14, v25;
	v14 =	vmovc v18;
	v27 =	vcvt.s32.f32 v21;
	(pc) =	sbr.rel @p0 .LBB2_1-.Ltmp0, $4  }
0x45: {  	vm5 =	vmand vm5, vm6;
	vm7 =	vgt.s32 v23, $0x0;
	v18 =	vsel vm0, v22, v20  }
0x46: {  	v20 =	vnsel vm7, $0x0, v23;
	v22 =	vmul.f32 $5.000000000e-01, v27;
	v21, _, _ =	vpop (xrf0);
	v25 =	vadd.f32 v18, v24  }
0x47: {  	v20 =	vcvt.s32.f32 v20;
	v24 =	vmax.f32 v16, v24;
	v21 =	vperm.xlane v21, v8  }
0x48: {  	s9 =	sadd.s32 $0xFFFFFFF0, s9;
	v16 =	vsel vm5, v24, v16;
	v22 =	vadd.f32 v26, v22;
	v23 =	vmax.f32 v10, v25;
	v18 =	vmovc v26  }
0x49: {  	_ = 	snop  }
0x4a: {  	v7 =	vnsel vm4, $0xFF800000, v22  }
0x4b: {  	v7 =	vperm.xlane v7, v8  }
0x4c: {  	v13 =	vadd.s32 s7, v13;
	v49 =	vlaneseq.u32  }
0x4d: {  	vm14 =	vlt.u32 v17, $0x7FB;
	v50 =	vperm.xlane v19, v1;
	(xrf0) =	vmax.scan.msk.f32 $0xffff, v7;
	v7 =	vmul.u32 $0xFFFFFFFF, v49  }
0x4e: {  	v10 =	vsel vm2, v23, v10;
	vm15 =	vmmov vm3;
	v15 =	vmul.f32 $5.000000000e-01, v15  }
0x4f: {  	v51 =	vperm.xlane v19, v6;
	v4 =	vadd.s32 v7, v4;
	v3 =	vadd.s32 v7, v3  }
0x50: {  	v57 =	vmul.f32 $5.000000000e-01, v20;
	v52 =	vsub.s32 $0x0, v4;
	v53 =	vsub.s32 $0x0, v3  }
0x51: {  	v17 =	vmax.f32 v21, v50;
	v4 =	vmin.u32 v4, v52;
	v3 =	vmin.u32 v3, v53  }
0x52: {  	v54 =	vperm.xlane v17, v5;
	v4 =	vsub.s32 v4, v2;
	v2 =	vsub.s32 v3, v2  }
0x53: {  	v1 =	vperm.xlane v17, v1;
	v55, _, _ =	vpop (xrf0);
	vm8 =	vgt.s32 v4, $0x0;
	vm5 =	vgt.s32 v2, $0x0  }
0x54: {  	v56 =	vld [tilespmem:$0x0];
	v3 =	vperm.xlane v55, v8;
	v4 =	vnsel vm8, $0x0, v4;
	v2 =	vnsel vm5, $0x0, v2  }
0x55: {  	vm9 =	vle.s32 v9, v0;
	v4 =	vcvt.s32.f32 v4;
	v2 =	vcvt.s32.f32 v2  }
0x56: {  	v14 =	vadd.f32 v14, v15;
	v60 =	vadd.f32 v18, v57;
	v7 =	vsel vm0, v54, v51  }
0x57: {  	v1 =	vmax.f32 v3, v1;
	v3 =	vmul.f32 $5.000000000e-01, v4;
	v2 =	vmul.f32 $5.000000000e-01, v2  }
0x58: {  	v58 =	vperm.xlane v17, v6;
	v7 =	vadd.f32 v7, v14;
	v59 =	vperm.xlane v1, v5  }
0x59: {  	v61 =	vimm.s32 $0x1;
	v3 =	vadd.f32 v56, v3;
	v2 =	vadd.f32 v56, v2  }
0x5a: {  	v62 =	vimm.s32 $0x6;
	v7 =	vmax.f32 v10, v7;
	v4 =	vsel vm0, v59, v58  }
0x5b: {  	v4 =	vadd.f32 v4, v60;
	v3 =	vperm.xlane v3, v61;
	v2 =	vperm.xlane v2, v62  }
0x5c: {  	vm1 =	vmmov vm1;
	vm13 =	vle.s32 v11, v0;
	v7 =	vsel vm14, v7, v10  }
0x5d: {  	vm11 =	vlt.u32 v13, $0x7FB;
	v4 =	vmax.f32 v7, v4;
	v2 =	vadd.f32 v2, v3  }
0x5e: {  	vm10 =	vmand vm15, vm9;
	v63 =	vmax.f32 v16, v14;
	v4 =	vsel vm11, v4, v7  }
0x5f: {  	p0 =	seq.s32 s3, $0x0;
	vm12 =	vmmov vm1;
	v3 =	vsel vm10, v63, v16;
	v0 =	vmax.f32 v4, v2  }
0x60: {  	vm0 =	vmand vm12, vm13;
	v2 =	vmax.f32 v3, v60;
	v0 =	vpsel p0, v0, v4  }
0x61: {  	v2 =	vsel vm0, v2, v3;
	(xrf0) =	vmax.scan.msk.f32 $0xffff, v0  }
0x62: {  	(xrf0) =	vmax.scan.msk.f32 $0xffff, v2;
	_ =	sdelay $0x2  }
0x63: {  	s5 =	sxor.u32 s3, s5  }
0x64: {  	s29 =	sxor.u32 s3, s6;
	p5 =	seq.s32 s5, $0x3F  }
0x65: {  	p6 =	seq.s32 s29, $0x3F;
	v0 =	vpsel p5, v17, v12;
	v2, _, _ =	vpop (xrf0)  }
0x66: {  	v1 =	vpsel p6, v1, v0;
	v0 =	vimm.s32 $0x0;
	v3, _, _ =	vpop (xrf0)  }
0x67: {  	v1 =	vperm.xlane v1, v0;
	v3 =	vbroadcast v3, $0xF  }
0x68: {  	vm14 =	vcmask $0x2714;
	v2 =	vbroadcast v2, $0xF  }
0x69: {  	vm15 =	vcmask $0x3F14;
	v1 =	vsel vm14, v3, v1  }
0x6a: {  	s30 =	sshll.u32 s2, $0x4;
	s3 =	simm.s32 $0x0;
	v1 =	vsel vm15, v1, v2  }
0x6b: {  	s6 =	simm.s32 $0x880;
	s31 =	sadd.s32 s4, s30;
	s5 =	simm.s32 $0x3;
	[tilespmem:$0x880] =	vst v1  }
0x6c: {  	[hbm4b:s31+s3] =	stream.linear.scatter [tilespmem:s6], [sflag:$0x3], $0x80, $0x38;
	[tilespmem:$0x1100] =	vst v63  }
0x6d: {  	_ =	swait.ge [sflag:s5], $0x80  }
0x6e: {  	[sflag:s5] =	ssyncset.done $0x0  }
0x6f: {  	[sflag:s5] =	ssyncadd.s32 $0xFFFFFF80  }
0x70: {  	p0 =	sne.s32 s2, $0x0;
	[bflag:$0x0] =	sbarrier.arrive $0xFFFF  }
0x71: {  	_ =	sfence.sel @p0 $0x180000  }
0x72: {  	[bflag:$0x0] =	sbarrier.arrive @p0 $0xFFFF  }
0x73: {  	_ =	strace @p0 $0x90000047  }
0x74: {  	[bflag:$0x2] =	sbarrier.arrive @p0 $0xFFFF  }
0x75: {  	_ =	shalt @p0  }
.LBB2_3:
0x76: {  	s2 =	simm.s32 $0x900  }
0x77: {  	[tilespmem:s2], [sflag:$0x3] =	stream.linear.gather [hbm4b:s4+s3], $0x800, $0x38;
	[tilespmem:$0x1100] =	vst v63  }
0x78: {  	_ =	swait.ge [sflag:s5], $0x800  }
0x79: {  	[sflag:s5] =	ssyncset.done $0x0  }
0x7a: {  	[sflag:s5] =	ssyncadd.s32 $0xFFFFF800  }
0x7b: {  	v1 =	vld [tilespmem:$0x900]  }
0x7c: {  	v2 =	vld [tilespmem:$0x980]  }
0x7d: {  	v3 =	vld [tilespmem:$0xA00]  }
0x7e: {  	v4 =	vld [tilespmem:$0xA80]  }
0x7f: {  	v9 =	vld [tilespmem:$0xB00]  }
0x80: {  	v5 =	vimm.s32 $0x5;
	v6 =	vimm.s32 $0xA;
	v10 =	vld [tilespmem:$0xB80]  }
0x81: {  	v12 =	vld [tilespmem:$0xC00];
	v7 =	vperm.xlane v1, v5;
	v8 =	vperm.xlane v2, v6  }
0x82: {  	v28 =	vld [tilespmem:$0xC80];
	v1 =	vperm.xlane v1, v0;
	v2 =	vperm.xlane v2, v0  }
0x83: {  	v32 =	vld [tilespmem:$0xD00];
	v25 =	vperm.xlane v3, v5;
	v11 =	vperm.xlane v4, v6  }
0x84: {  	v35 =	vld [tilespmem:$0xD80];
	v26 =	vperm.xlane v3, v0;
	v27 =	vperm.xlane v4, v0  }
0x85: {  	v30 =	vperm.xlane v9, v5;
	v31 =	vperm.xlane v10, v6  }
0x86: {  	v13 =	vld [tilespmem:$0xE00];
	v33 =	vperm.xlane v9, v0;
	v34 =	vperm.xlane v10, v0  }
0x87: {  	v39 =	vld [tilespmem:$0xE80];
	v36 =	vperm.xlane v12, v5;
	v37 =	vperm.xlane v28, v6  }
0x88: {  	v38 =	vperm.xlane v12, v0;
	v4 =	vperm.xlane v28, v0  }
0x89: {  	v42 =	vperm.xlane v32, v5;
	v43 =	vperm.xlane v35, v6;
	v7 =	vadd.f32 v8, v7  }
0x8a: {  	v44 =	vld [tilespmem:$0xF00];
	v45 =	vperm.xlane v32, v0;
	v46 =	vperm.xlane v35, v0;
	v1 =	vmax.f32 v1, v2  }
0x8b: {  	v47 =	vld [tilespmem:$0xF80];
	v48 =	vperm.xlane v13, v5;
	v29 =	vadd.f32 v11, v25;
	v1 =	vmax.f32 v1, v7  }
0x8c: {  	v49 =	vperm.xlane v39, v6;
	v2 =	vmax.f32 v26, v27;
	v1 =	vadd.f32 $0.0e+00, v1  }
0x8d: {  	v51 =	vperm.xlane v13, v0;
	v3 =	vadd.f32 v31, v30;
	v2 =	vmax.f32 v2, v29  }
0x8e: {  	v50 =	vld [tilespmem:$0x1000];
	v12 =	vperm.xlane v39, v0;
	v1 =	vadd.f32 v2, v1;
	v2 =	vmax.f32 v33, v34  }
0x8f: {  	v52 =	vld [tilespmem:$0x1080];
	v55 =	vperm.xlane v44, v5;
	v40 =	vadd.f32 v37, v36;
	v2 =	vmax.f32 v2, v3  }
0x90: {  	v56 =	vperm.xlane v47, v6;
	v41 =	vmax.f32 v38, v4;
	v1 =	vadd.f32 v2, v1  }
0x91: {  	v57 =	vperm.xlane v44, v0;
	v3 =	vadd.f32 v43, v42;
	v2 =	vmax.f32 v41, v40  }
0x92: {  	v58 =	vperm.xlane v47, v0;
	v1 =	vadd.f32 v2, v1;
	v2 =	vmax.f32 v45, v46  }
0x93: {  	v59 =	vperm.xlane v50, v5;
	v53 =	vadd.f32 v49, v48;
	v2 =	vmax.f32 v2, v3  }
0x94: {  	v60 =	vperm.xlane v52, v6;
	v54 =	vmax.f32 v51, v12;
	v1 =	vadd.f32 v2, v1  }
0x95: {  	v61 =	vperm.xlane v50, v0;
	v3 =	vadd.f32 v56, v55;
	v2 =	vmax.f32 v54, v53  }
0x96: {  	v62 =	vperm.xlane v52, v0;
	v1 =	vadd.f32 v2, v1;
	v2 =	vmax.f32 v57, v58  }
0x97: {  	v63 =	vadd.f32 v60, v59;
	v2 =	vmax.f32 v2, v3  }
0x98: {  	v0 =	vmax.f32 v61, v62;
	v1 =	vadd.f32 v2, v1  }
0x99: {  	v0 =	vmax.f32 v0, v63  }
0x9a: {  	v0 =	vadd.f32 v0, v1;
	_ =	sdelay $0x1  }
0x9b: {  	v0 =	vmul.f32 $1.250000000e-01, v0;
	_ =	sdelay $0x1  }
0x9c: {  	[tilespmem:$0x880] =	vst v0  }
0x9d: {  	[hbm4b:s1+s3] =	stream.linear.scatter [tilespmem:s6], [sflag:$0x3], $0x80, $0x38;
	[tilespmem:$0x1100] =	vst v63  }
0x9e: {  	_ =	swait.ge [sflag:s5], $0x80  }
0x9f: {  	[sflag:s5] =	ssyncset.done $0x0  }
0xa0: {  	[sflag:s5] =	ssyncadd.s32 $0xFFFFFF80  }
0xa1: {  	_ =	sfence.sel $0x180000  }
0xa2: {  	[bflag:$0x0] =	sbarrier.arrive $0xFFFF  }
0xa3: {  	_ =	strace $0x90000047  }
0xa4: {  	s0 =	sadd.s32 $0x100000, s0;
	[bflag:$0x2] =	sbarrier.arrive $0xFFFF  }
0xa5: {  	[sflag:s0] =	ssyncadd.tile.s32 $0x1;
	_ =	shalt  }
.Lfunc_end2:
_tile_overlayer_lowered:
.L_overlay_start_2:
0xa6: {  	(tag) =	ssettag $0x2  }
0xa7: {  	s0 =	rddreg [dreg:$0x0];
	s2 =	stileid.u32  }
0xa8: {  	s1 =	rddreg [dreg:$0x1];
	p0 =	sne.s32 s2, $0x0  }
0xa9: {  	s3 =	rddreg [dreg:$0x2];
	[bflag:$0x3] =	sbarrier.arrive $0xFFFF;
	s2 =	simm.s32 @!p0 $0x1C03  }
0xaa: {  	[timem:s3], [sflag:s2] =	dma.local @!p0 [hbm:s0], s1  }
0xab: {  	s0 =	simm.s32 @!p0 $0x3  }
0xac: {  	_ =	swait.ge @!p0 [sflag:s0], s1  }
0xad: {  	s1 =	ssub.s32 @!p0 $0x0, s1;
	[sflag:s0] =	ssyncset.done @!p0 $0x0  }
0xae: {  	[sflag:s0] =	ssyncadd.s32 @!p0 s1  }
0xaf: {  	[bflag:$0x3] =	sbarrier.arrive $0xFFFF  }
0xb0: {  	_ =	shalt  }

</sc_bundles>
